<compile_context>
chip_gen: v7x
topology: tpu7x:2x2x1
jax: 0.10.2.dev20260603
libtpu: 0.0.44.dev20260713+nightly
codegen_flags: <defaults>
</compile_context>

<pallas_src>
import functools

import jax
import jax.numpy as jnp
from jax import lax
from jax.experimental import pallas as pl
from jax.experimental.pallas import tpu as pltpu
from jax.experimental.pallas import tpu_sc as plsc

_N = 10000
_E = 160000
_D = 256
_DOUT = 128
_NE = 8

_NC = 2
_NS = 16
_HALF = 128

_ROWS = 10240
_SLAB = _ROWS // _NS
_EPAD = 163840
_CHUNK = 128
_NCHUNK = _EPAD // _NS // _CHUNK
_CNTC = 128

_BN = 512
_NBLK = _ROWS // _BN


_MESH = plsc.VectorSubcoreMesh(core_axis_name="c", subcore_axis_name="s")


def _seg_sum_build():
  sums_t = jax.ShapeDtypeStruct((_NC, _ROWS, _HALF), jnp.float32)
  scratch = [
      pltpu.VMEM((_NCHUNK, _CHUNK), jnp.int32),
      pltpu.VMEM((_NCHUNK, _CHUNK), jnp.int32),
      pltpu.VMEM((_CHUNK, _HALF), jnp.float32),
      pltpu.VMEM_SHARED((_ROWS, _HALF), jnp.float32),
      pltpu.SemaphoreType.DMA,
  ]

  @functools.partial(pl.kernel, out_type=sums_t, mesh=_MESH,
                     scratch_types=scratch)
  def k(xs_hbm, src_hbm, dst_hbm, z_hbm, out_hbm, srcv, dstv, rowsv, acc,
        gsem):
    c = lax.axis_index("c")
    s = lax.axis_index("s")

    pltpu.sync_copy(z_hbm, acc.at[pl.ds(s * _SLAB, _SLAB)])
    pltpu.sync_copy(src_hbm.at[s], srcv)
    pltpu.sync_copy(dst_hbm.at[s], dstv)

    plsc.subcore_barrier()

    xc = xs_hbm.at[c]

    @pl.loop(0, _NCHUNK)
    def _(j):
      pltpu.async_copy(xc.at[srcv.at[j]], rowsv, gsem).wait()
      pltpu.sync_copy(rowsv, acc.at[dstv.at[j]], add=True)

    plsc.subcore_barrier()

    sl = pl.ds(s * _SLAB, _SLAB)
    pltpu.sync_copy(acc.at[sl], out_hbm.at[c].at[sl])

  return k


def _counts_build():
  cnt_t = jax.ShapeDtypeStruct((_ROWS, _CNTC), jnp.float32)
  scratch = [
      pltpu.VMEM((_NCHUNK, _CHUNK), jnp.int32),
      pltpu.VMEM((_CHUNK, _CNTC), jnp.float32),
      pltpu.VMEM_SHARED((_ROWS, _CNTC), jnp.float32),
  ]

  @functools.partial(pl.kernel, out_type=cnt_t, mesh=_MESH,
                     scratch_types=scratch)
  def k(dst_hbm, zc_hbm, ones_hbm, cnt_hbm, dstv, onesv, cntacc):
    c = lax.axis_index("c")
    s = lax.axis_index("s")

    @pl.when(c == 0)
    def _():
      pltpu.sync_copy(zc_hbm, cntacc.at[pl.ds(s * _SLAB, _SLAB)])
      pltpu.sync_copy(dst_hbm.at[s], dstv)
      pltpu.sync_copy(ones_hbm, onesv)

    plsc.subcore_barrier()

    @pl.when(c == 0)
    def _():
      @pl.loop(0, _NCHUNK)
      def _(j):
        pltpu.sync_copy(onesv, cntacc.at[dstv.at[j]], add=True)

    plsc.subcore_barrier()

    @pl.when(c == 0)
    def _():
      sl = pl.ds(s * _SLAB, _SLAB)
      pltpu.sync_copy(cntacc.at[sl], cnt_hbm.at[sl])

  return k


_seg_sum = _seg_sum_build()
_counts = _counts_build()


def _moe_body(sums_ref, cnt_ref, xprev_ref, Wg_ref, bg_ref, W_ref, b_ref,
              Wr_ref, out_ref, gstd_ref, *, relu):
  i = pl.program_id(0)
  cnt = cnt_ref[:, 0:1]
  recip = 1.0 / jnp.maximum(cnt, 1.0)
  h = jnp.concatenate([sums_ref[0], sums_ref[1]], axis=1) * recip
  logits = jnp.dot(h, Wg_ref[...], preferred_element_type=jnp.float32)
  logits = logits + bg_ref[...]
  col = lax.broadcasted_iota(jnp.int32, (_BN, _HALF), 1)
  lane_ok = col < _NE
  lm = jnp.where(lane_ok, logits, jnp.float32(-1e30))
  m = jnp.max(lm, axis=1, keepdims=True)
  p = jnp.exp(lm - m)
  p = p / jnp.sum(p, axis=1, keepdims=True)
  diff = jnp.where(lane_ok, p - jnp.float32(1.0 / _NE), 0.0)
  ssq = jnp.sum(diff * diff, axis=1, keepdims=True)
  std = jnp.sqrt(ssq * jnp.float32(1.0 / (_NE - 1)))
  rowid = lax.broadcasted_iota(jnp.int32, (_BN, 1), 0) + i * _BN
  gpart = jnp.sum(jnp.where(rowid < _N, std, 0.0))
  gstd_ref[...] = jnp.full((1, 1, _HALF), gpart, jnp.float32)
  eidx = jnp.min(jnp.where((lm >= m) & lane_ok, col, _NE), axis=1,
                 keepdims=True)
  xprev = jnp.concatenate([xprev_ref[0], xprev_ref[1]], axis=1)
  acc = jnp.dot(xprev, Wr_ref[...], preferred_element_type=jnp.float32)
  for e in range(_NE):
    sel = (eidx == e).astype(jnp.float32)
    pe = jnp.dot(h, W_ref[e], preferred_element_type=jnp.float32) + b_ref[e]
    acc = acc + sel * pe
  if relu:
    acc = jnp.maximum(acc, 0.0)
  out_ref[0] = acc[:, :_HALF]
  out_ref[1] = acc[:, _HALF:]


def _moe_tc(sums, cnt, xprev, Wgp, bgp, W, b, Wr, relu):
  return pl.pallas_call(
      functools.partial(_moe_body, relu=relu),
      grid=(_NBLK,),
      in_specs=[
          pl.BlockSpec((2, _BN, _HALF), lambda i: (0, i, 0)),
          pl.BlockSpec((_BN, _CNTC), lambda i: (i, 0)),
          pl.BlockSpec((2, _BN, _HALF), lambda i: (0, i, 0)),
          pl.BlockSpec((_D, _HALF), lambda i: (0, 0)),
          pl.BlockSpec((1, _HALF), lambda i: (0, 0)),
          pl.BlockSpec((_NE, _D, _D), lambda i: (0, 0, 0)),
          pl.BlockSpec((_NE, 1, _D), lambda i: (0, 0, 0)),
          pl.BlockSpec((_D, _D), lambda i: (0, 0)),
      ],
      out_specs=[
          pl.BlockSpec((2, _BN, _HALF), lambda i: (0, i, 0)),
          pl.BlockSpec((1, 1, _HALF), lambda i: (i, 0, 0)),
      ],
      out_shape=[
          jax.ShapeDtypeStruct((2, _ROWS, _HALF), jnp.float32),
          jax.ShapeDtypeStruct((_NBLK, 1, _HALF), jnp.float32),
      ],
  )(sums, cnt, xprev, Wgp, bgp, W, b, Wr)


def _fin_body(sums_ref, cnt_ref, x2_ref, Wl_ref, bl_ref, Wr_ref, out_ref):
  cnt = cnt_ref[:, 0:1]
  recip = 1.0 / jnp.maximum(cnt, 1.0)
  h = jnp.concatenate([sums_ref[0], sums_ref[1]], axis=1) * recip
  x2 = jnp.concatenate([x2_ref[0], x2_ref[1]], axis=1)
  out = jnp.dot(h, Wl_ref[...], preferred_element_type=jnp.float32)
  out = out + bl_ref[...]
  out = out + jnp.dot(x2, Wr_ref[...], preferred_element_type=jnp.float32)
  out_ref[...] = out


def _fin_tc(sums, cnt, x2, Wl, bl, Wr):
  return pl.pallas_call(
      _fin_body,
      grid=(_NBLK,),
      in_specs=[
          pl.BlockSpec((2, _BN, _HALF), lambda i: (0, i, 0)),
          pl.BlockSpec((_BN, _CNTC), lambda i: (i, 0)),
          pl.BlockSpec((2, _BN, _HALF), lambda i: (0, i, 0)),
          pl.BlockSpec((_D, _DOUT), lambda i: (0, 0)),
          pl.BlockSpec((1, _DOUT), lambda i: (0, 0)),
          pl.BlockSpec((_D, _DOUT), lambda i: (0, 0)),
      ],
      out_specs=pl.BlockSpec((_BN, _DOUT), lambda i: (i, 0)),
      out_shape=jax.ShapeDtypeStruct((_ROWS, _DOUT), jnp.float32),
  )(sums, cnt, x2, Wl, bl, Wr)


def kernel(x, edge_index, Wg0, bg0, W0, b0, Wr0, Wg1, bg1, W1, b1, Wr1,
           Wl2, bl2, Wr2):
  f32 = jnp.float32
  xp = jnp.zeros((_ROWS, _D), f32).at[:_N].set(x)
  xs = jnp.stack([xp[:, :_HALF], xp[:, _HALF:]])

  src = edge_index[0]
  dst = edge_index[1]
  pad = _EPAD - _E
  src2 = jnp.concatenate([src, jnp.zeros((pad,), jnp.int32)])
  src2 = src2.reshape(_NS, _NCHUNK, _CHUNK)
  dst2 = jnp.concatenate([dst, jnp.full((pad,), _N, jnp.int32)])
  dst2 = dst2.reshape(_NS, _NCHUNK, _CHUNK)

  z_rows = jnp.zeros((_SLAB, _HALF), f32)
  zc_rows = jnp.zeros((_SLAB, _CNTC), f32)
  ones_rows = jnp.ones((_CHUNK, _CNTC), f32)

  Wg0p = jnp.zeros((_D, _HALF), f32).at[:, :_NE].set(Wg0)
  bg0p = jnp.zeros((1, _HALF), f32).at[0, :_NE].set(bg0)
  Wg1p = jnp.zeros((_D, _HALF), f32).at[:, :_NE].set(Wg1)
  bg1p = jnp.zeros((1, _HALF), f32).at[0, :_NE].set(bg1)

  cnt = _counts(dst2, zc_rows, ones_rows)
  sums0 = _seg_sum(xs, src2, dst2, z_rows)
  x1s, g0 = _moe_tc(sums0, cnt, xs, Wg0p, bg0p, W0,
                    b0.reshape(_NE, 1, _D), Wr0, relu=True)
  sums1 = _seg_sum(x1s, src2, dst2, z_rows)
  x2s, g1 = _moe_tc(sums1, cnt, x1s, Wg1p, bg1p, W1,
                    b1.reshape(_NE, 1, _D), Wr1, relu=True)
  sums2 = _seg_sum(x2s, src2, dst2, z_rows)
  outp = _fin_tc(sums2, cnt, x2s, Wl2, bl2.reshape(1, _DOUT), Wr2)

  out = outp[:_N]
  gstd = (jnp.sum(g0[:, 0, 0]) + jnp.sum(g1[:, 0, 0])) / jnp.float32(2 * _N)
  return (out, gstd)

# --- scband reference (transcript-rebuilt; emitter-appended) ---
"""Pipeline reference for scband-sage-11871289606693 (READ-ONLY COPY).

The authoritative reference and input builder live on the scoring server;
editing this copy changes nothing except your own understanding.
"""

import jax, jax.numpy as jnp
import numpy as np

N = 10000
E_EDGES = 160000
DIN = 256
DH = 256
DOUT = 128
NE = 8


def setup_inputs(seed: int = 0) -> dict:
    key = jax.random.key(seed)
    ks = jax.random.split(key, 20)
    inp = {}
    inp["x"] = jax.random.normal(ks[0], (N, DIN), dtype=jnp.float32)
    inp["edge_index"] = jax.random.randint(ks[1], (2, E_EDGES), 0, N, dtype=jnp.int32)
    s_in = 1.0 / np.sqrt(DIN)
    s_h = 1.0 / np.sqrt(DH)
    # Layer 0: MySAGEConv(DIN -> DH) with MoE lin_l (8 experts) and dense lin_r
    inp["Wg0"] = jax.random.normal(ks[2], (DIN, NE), dtype=jnp.float32) * s_in
    inp["bg0"] = jnp.zeros((NE,), dtype=jnp.float32)
    inp["W0"] = jax.random.normal(ks[3], (NE, DIN, DH), dtype=jnp.float32) * s_in
    inp["b0"] = jnp.zeros((NE, DH), dtype=jnp.float32)
    inp["Wr0"] = jax.random.normal(ks[4], (DIN, DH), dtype=jnp.float32) * s_in
    # Layer 1: MySAGEConv(DH -> DH)
    inp["Wg1"] = jax.random.normal(ks[5], (DH, NE), dtype=jnp.float32) * s_h
    inp["bg1"] = jnp.zeros((NE,), dtype=jnp.float32)
    inp["W1"] = jax.random.normal(ks[6], (NE, DH, DH), dtype=jnp.float32) * s_h
    inp["b1"] = jnp.zeros((NE, DH), dtype=jnp.float32)
    inp["Wr1"] = jax.random.normal(ks[7], (DH, DH), dtype=jnp.float32) * s_h
    # Layer 2: plain SAGEConv(DH -> DOUT)
    inp["Wl2"] = jax.random.normal(ks[8], (DH, DOUT), dtype=jnp.float32) * s_h
    inp["bl2"] = jnp.zeros((DOUT,), dtype=jnp.float32)
    inp["Wr2"] = jax.random.normal(ks[9], (DH, DOUT), dtype=jnp.float32) * s_h
    return inp


def _segment_mean(vals, idx, num):
    s = jax.ops.segment_sum(vals, idx, num_segments=num)
    cnt = jax.ops.segment_sum(jnp.ones((idx.shape[0], 1), dtype=vals.dtype), idx, num_segments=num)
    return s / jnp.clip(cnt, 1.0, None)


def _moe(h, Wg, bg, W, b):
    # FMoEMLP with NaiveGate, top_k=1: token routed to argmax expert,
    # combine weight = softmax over top-1 logits = 1.0
    logits = h @ Wg + bg
    gate = jax.nn.softmax(logits, axis=-1)  # [N, E] full gate distribution
    idx = jnp.argmax(logits, axis=-1)
    out_all = jnp.einsum('nd,edh->neh', h, W) + b[None, :, :]
    out = jnp.take_along_axis(out_all, idx[:, None, None], axis=1)[:, 0, :]
    gstd = jnp.std(gate, axis=1, ddof=1).mean()  # torch.std is unbiased
    return out, gstd


def reference(x, edge_index, Wg0, bg0, W0, b0, Wr0, Wg1, bg1, W1, b1, Wr1, Wl2, bl2, Wr2):
    src = edge_index[0]
    dst = edge_index[1]
    # Layer 0: mean aggregation of neighbor features, MoE transform, root weight
    h0 = _segment_mean(x[src], dst, N)
    o0, g0 = _moe(h0, Wg0, bg0, W0, b0)
    o0 = o0 + x @ Wr0
    x1 = jax.nn.relu(o0)  # dropout is identity in eval
    # Layer 1
    h1 = _segment_mean(x1[src], dst, N)
    o1, g1 = _moe(h1, Wg1, bg1, W1, b1)
    o1 = o1 + x1 @ Wr1
    x2 = jax.nn.relu(o1)
    # Layer 2: plain SAGEConv
    h2 = _segment_mean(x2[src], dst, N)
    out = h2 @ Wl2 + bl2 + x2 @ Wr2
    gate_std_means = jnp.stack([g0, g1]).mean()
    return (out, gate_std_means)

if __name__ == "__main__":
    import jax
    _d = setup_inputs()
    print(jax.jit(kernel)(*tuple(_d.values())))

</pallas_src>

<mosaic_0001>
#map = affine_map<(d0, d1) -> (0, 0, 0)>
#map1 = affine_map<(d0, d1) -> (0, 0)>
module attributes {stable_mosaic.version = 14 : i64} {
  func.func @k(%arg0: i32, %arg1: i32, %arg2: memref<2x10240x128xf32, #tpu.memory_space<hbm>>, %arg3: memref<16x80x128xi32, #tpu.memory_space<hbm>>, %arg4: memref<16x80x128xi32, #tpu.memory_space<hbm>>, %arg5: memref<640x128xf32, #tpu.memory_space<hbm>>, %arg6: memref<2x10240x128xf32, #tpu.memory_space<hbm>>, %arg7: memref<80x128xi32, #tpu.memory_space<vmem>>, %arg8: memref<80x128xi32, #tpu.memory_space<vmem>>, %arg9: memref<128x128xf32, #tpu.memory_space<vmem>>, %arg10: memref<10240x128xf32, #tpu.memory_space<vmem_shared>>, %arg11: memref<!tpu.dma_semaphore, #tpu.memory_space<semaphore_mem>>) attributes {dimension_semantics = [#tpu.dimension_semantics<core_parallel>, #tpu.dimension_semantics<subcore_parallel>], iteration_bounds = array<i64: 2, 16>, scalar_prefetch = 0 : i64, scratch_operands = 5 : i64, tpu.core_type = #tpu.core_type<sc_vector_subcore>, window_params = [{transform_indices = #map}, {transform_indices = #map}, {transform_indices = #map}, {transform_indices = #map1}, {transform_indices = #map}]} {
    %mul3A = arith.constant 640 : i32
    %mul3A_0 = arith.muli %arg1, %mul3A : i32
    "tpu.region"() ({
      %run_scoped3A = tpu.sem_alloc : memref<!tpu.dma_semaphore, #tpu.memory_space<semaphore_mem>>
      %dma_start3A = arith.constant 0 : i32
      %dma_start3A_8 = tpu.memref_slice %arg10[%mul3A_0, %dma_start3A] : memref<10240x128xf32, #tpu.memory_space<vmem_shared>> -> memref<640x128xf32, #tpu.memory_space<vmem_shared>>
      tpu.enqueue_dma source(%arg5 : memref<640x128xf32, #tpu.memory_space<hbm>>) target(%dma_start3A_8 : memref<640x128xf32, #tpu.memory_space<vmem_shared>>) target_semaphore(%run_scoped3A : memref<!tpu.dma_semaphore, #tpu.memory_space<semaphore_mem>>)
      %dma_wait3A = arith.constant 0 : i32
      %dma_wait3A_9 = tpu.memref_slice %arg10[%mul3A_0, %dma_wait3A] : memref<10240x128xf32, #tpu.memory_space<vmem_shared>> -> memref<640x128xf32, #tpu.memory_space<vmem_shared>>
      tpu.wait_dma2 semaphore(%run_scoped3A : memref<!tpu.dma_semaphore, #tpu.memory_space<semaphore_mem>>) src(%arg5 : memref<640x128xf32, #tpu.memory_space<hbm>>) dst(%dma_wait3A_9 : memref<640x128xf32, #tpu.memory_space<vmem_shared>>)
      tpu.yield
    }) : () -> ()
    "tpu.region"() ({
      %run_scoped3A = tpu.sem_alloc : memref<!tpu.dma_semaphore, #tpu.memory_space<semaphore_mem>>
      %dma_start3A = arith.constant 0 : i32
      %dma_start3A_8 = arith.constant 0 : i32
      %dma_start3A_9 = tpu.memref_slice %arg3[%arg1, %dma_start3A, %dma_start3A_8] : memref<16x80x128xi32, #tpu.memory_space<hbm>> -> memref<1x80x128xi32, #tpu.memory_space<hbm>>
      %dma_start3A_10 = tpu.memref_squeeze %dma_start3A_9 : memref<1x80x128xi32, #tpu.memory_space<hbm>> -> memref<80x128xi32, #tpu.memory_space<hbm>>
      %dma_start3A_11 = arith.constant 0 : i32
      %dma_start3A_12 = arith.constant 0 : i32
      %dma_start3A_13 = tpu.memref_slice %arg3[%arg1, %dma_start3A_11, %dma_start3A_12] : memref<16x80x128xi32, #tpu.memory_space<hbm>> -> memref<1x80x128xi32, #tpu.memory_space<hbm>>
      %dma_start3A_14 = tpu.memref_squeeze %dma_start3A_13 : memref<1x80x128xi32, #tpu.memory_space<hbm>> -> memref<80x128xi32, #tpu.memory_space<hbm>>
      tpu.enqueue_dma source(%dma_start3A_14 : memref<80x128xi32, #tpu.memory_space<hbm>>) target(%arg7 : memref<80x128xi32, #tpu.memory_space<vmem>>) target_semaphore(%run_scoped3A : memref<!tpu.dma_semaphore, #tpu.memory_space<semaphore_mem>>)
      %dma_wait3A = arith.constant 0 : i32
      %dma_wait3A_15 = arith.constant 0 : i32
      %dma_wait3A_16 = tpu.memref_slice %arg3[%arg1, %dma_wait3A, %dma_wait3A_15] : memref<16x80x128xi32, #tpu.memory_space<hbm>> -> memref<1x80x128xi32, #tpu.memory_space<hbm>>
      %dma_wait3A_17 = tpu.memref_squeeze %dma_wait3A_16 : memref<1x80x128xi32, #tpu.memory_space<hbm>> -> memref<80x128xi32, #tpu.memory_space<hbm>>
      %dma_wait3A_18 = arith.constant 0 : i32
      %dma_wait3A_19 = arith.constant 0 : i32
      %dma_wait3A_20 = tpu.memref_slice %arg3[%arg1, %dma_wait3A_18, %dma_wait3A_19] : memref<16x80x128xi32, #tpu.memory_space<hbm>> -> memref<1x80x128xi32, #tpu.memory_space<hbm>>
      %dma_wait3A_21 = tpu.memref_squeeze %dma_wait3A_20 : memref<1x80x128xi32, #tpu.memory_space<hbm>> -> memref<80x128xi32, #tpu.memory_space<hbm>>
      tpu.wait_dma2 semaphore(%run_scoped3A : memref<!tpu.dma_semaphore, #tpu.memory_space<semaphore_mem>>) src(%dma_wait3A_21 : memref<80x128xi32, #tpu.memory_space<hbm>>) dst(%arg7 : memref<80x128xi32, #tpu.memory_space<vmem>>)
      tpu.yield
    }) : () -> ()
    "tpu.region"() ({
      %run_scoped3A = tpu.sem_alloc : memref<!tpu.dma_semaphore, #tpu.memory_space<semaphore_mem>>
      %dma_start3A = arith.constant 0 : i32
      %dma_start3A_8 = arith.constant 0 : i32
      %dma_start3A_9 = tpu.memref_slice %arg4[%arg1, %dma_start3A, %dma_start3A_8] : memref<16x80x128xi32, #tpu.memory_space<hbm>> -> memref<1x80x128xi32, #tpu.memory_space<hbm>>
      %dma_start3A_10 = tpu.memref_squeeze %dma_start3A_9 : memref<1x80x128xi32, #tpu.memory_space<hbm>> -> memref<80x128xi32, #tpu.memory_space<hbm>>
      %dma_start3A_11 = arith.constant 0 : i32
      %dma_start3A_12 = arith.constant 0 : i32
      %dma_start3A_13 = tpu.memref_slice %arg4[%arg1, %dma_start3A_11, %dma_start3A_12] : memref<16x80x128xi32, #tpu.memory_space<hbm>> -> memref<1x80x128xi32, #tpu.memory_space<hbm>>
      %dma_start3A_14 = tpu.memref_squeeze %dma_start3A_13 : memref<1x80x128xi32, #tpu.memory_space<hbm>> -> memref<80x128xi32, #tpu.memory_space<hbm>>
      tpu.enqueue_dma source(%dma_start3A_14 : memref<80x128xi32, #tpu.memory_space<hbm>>) target(%arg8 : memref<80x128xi32, #tpu.memory_space<vmem>>) target_semaphore(%run_scoped3A : memref<!tpu.dma_semaphore, #tpu.memory_space<semaphore_mem>>)
      %dma_wait3A = arith.constant 0 : i32
      %dma_wait3A_15 = arith.constant 0 : i32
      %dma_wait3A_16 = tpu.memref_slice %arg4[%arg1, %dma_wait3A, %dma_wait3A_15] : memref<16x80x128xi32, #tpu.memory_space<hbm>> -> memref<1x80x128xi32, #tpu.memory_space<hbm>>
      %dma_wait3A_17 = tpu.memref_squeeze %dma_wait3A_16 : memref<1x80x128xi32, #tpu.memory_space<hbm>> -> memref<80x128xi32, #tpu.memory_space<hbm>>
      %dma_wait3A_18 = arith.constant 0 : i32
      %dma_wait3A_19 = arith.constant 0 : i32
      %dma_wait3A_20 = tpu.memref_slice %arg4[%arg1, %dma_wait3A_18, %dma_wait3A_19] : memref<16x80x128xi32, #tpu.memory_space<hbm>> -> memref<1x80x128xi32, #tpu.memory_space<hbm>>
      %dma_wait3A_21 = tpu.memref_squeeze %dma_wait3A_20 : memref<1x80x128xi32, #tpu.memory_space<hbm>> -> memref<80x128xi32, #tpu.memory_space<hbm>>
      tpu.wait_dma2 semaphore(%run_scoped3A : memref<!tpu.dma_semaphore, #tpu.memory_space<semaphore_mem>>) src(%dma_wait3A_21 : memref<80x128xi32, #tpu.memory_space<hbm>>) dst(%arg8 : memref<80x128xi32, #tpu.memory_space<vmem>>)
      tpu.yield
    }) : () -> ()
    %barrier3A = arith.constant 0 : index
    tpu.barrier barrier_id(%barrier3A)
    %scan3A = arith.constant 0 : i32
    %scan3A_1 = arith.constant 80 : i32
    %scan3A_2 = arith.addi %scan3A, %scan3A_1 : i32
    %scan3A_3 = arith.constant 1 : i32
    scf.for %scan3A_8 = %scan3A to %scan3A_2 step %scan3A_3  : i32 {
      %mul3A_9 = arith.constant 1 : i32
      %mul3A_10 = arith.muli %scan3A_8, %mul3A_9 : i32
      %add3A = arith.constant 0 : i32
      %add3A_11 = arith.addi %add3A, %mul3A_10 : i32
      %dma_start3A = arith.constant 0 : i32
      %dma_start3A_12 = tpu.memref_slice %arg7[%add3A_11, %dma_start3A] : memref<80x128xi32, #tpu.memory_space<vmem>> -> memref<1x128xi32, #tpu.memory_space<vmem>>
      %dma_start3A_13 = tpu.memref_squeeze %dma_start3A_12 : memref<1x128xi32, #tpu.memory_space<vmem>> -> memref<128xi32, #tpu.memory_space<vmem>>
      %dma_start3A_14 = arith.constant 0 : i32
      %dma_start3A_15 = arith.constant 0 : i32
      %dma_start3A_16 = tpu.memref_slice %arg2[%arg0, %dma_start3A_14, %dma_start3A_15] : memref<2x10240x128xf32, #tpu.memory_space<hbm>> -> memref<1x10240x128xf32, #tpu.memory_space<hbm>>
      %dma_start3A_17 = tpu.memref_squeeze %dma_start3A_16 : memref<1x10240x128xf32, #tpu.memory_space<hbm>> -> memref<10240x128xf32, #tpu.memory_space<hbm>>
      %dma_start3A_18 = arith.constant 0 : i32
      %dma_start3A_19 = arith.constant 0 : i32
      %dma_start3A_20 = tpu.memref_slice %dma_start3A_17[%dma_start3A_18, %dma_start3A_19] : memref<10240x128xf32, #tpu.memory_space<hbm>> -> memref<10240x128xf32, #tpu.memory_space<hbm>>
      tpu.enqueue_indirect_dma source(%dma_start3A_20 : memref<10240x128xf32, #tpu.memory_space<hbm>>) target(%arg9 : memref<128x128xf32, #tpu.memory_space<vmem>>) offsets(%dma_start3A_13 : memref<128xi32, #tpu.memory_space<vmem>>) semaphore(%arg11 : memref<!tpu.dma_semaphore, #tpu.memory_space<semaphore_mem>>)
      %dma_wait3A = arith.constant 0 : i32
      %dma_wait3A_21 = tpu.memref_slice %arg7[%add3A_11, %dma_wait3A] : memref<80x128xi32, #tpu.memory_space<vmem>> -> memref<1x128xi32, #tpu.memory_space<vmem>>
      %dma_wait3A_22 = tpu.memref_squeeze %dma_wait3A_21 : memref<1x128xi32, #tpu.memory_space<vmem>> -> memref<128xi32, #tpu.memory_space<vmem>>
      %dma_wait3A_23 = arith.constant 0 : i32
      %dma_wait3A_24 = arith.constant 0 : i32
      %dma_wait3A_25 = tpu.memref_slice %arg2[%arg0, %dma_wait3A_23, %dma_wait3A_24] : memref<2x10240x128xf32, #tpu.memory_space<hbm>> -> memref<1x10240x128xf32, #tpu.memory_space<hbm>>
      %dma_wait3A_26 = tpu.memref_squeeze %dma_wait3A_25 : memref<1x10240x128xf32, #tpu.memory_space<hbm>> -> memref<10240x128xf32, #tpu.memory_space<hbm>>
      %dma_wait3A_27 = arith.constant 0 : i32
      %dma_wait3A_28 = arith.constant 0 : i32
      %dma_wait3A_29 = tpu.memref_slice %dma_wait3A_26[%dma_wait3A_27, %dma_wait3A_28] : memref<10240x128xf32, #tpu.memory_space<hbm>> -> memref<10240x128xf32, #tpu.memory_space<hbm>>
      tpu.wait_indirect_dma semaphore(%arg11 : memref<!tpu.dma_semaphore, #tpu.memory_space<semaphore_mem>>) src(%dma_wait3A_29 : memref<10240x128xf32, #tpu.memory_space<hbm>>) dst(%arg9 : memref<128x128xf32, #tpu.memory_space<vmem>>)
      "tpu.region"() ({
        %run_scoped3A = tpu.sem_alloc : memref<!tpu.dma_semaphore, #tpu.memory_space<semaphore_mem>>
        %dma_start3A_30 = arith.constant 0 : i32
        %dma_start3A_31 = tpu.memref_slice %arg8[%add3A_11, %dma_start3A_30] : memref<80x128xi32, #tpu.memory_space<vmem>> -> memref<1x128xi32, #tpu.memory_space<vmem>>
        %dma_start3A_32 = tpu.memref_squeeze %dma_start3A_31 : memref<1x128xi32, #tpu.memory_space<vmem>> -> memref<128xi32, #tpu.memory_space<vmem>>
        %dma_start3A_33 = arith.constant 0 : i32
        %dma_start3A_34 = arith.constant 0 : i32
        %dma_start3A_35 = tpu.memref_slice %arg10[%dma_start3A_33, %dma_start3A_34] : memref<10240x128xf32, #tpu.memory_space<vmem_shared>> -> memref<10240x128xf32, #tpu.memory_space<vmem_shared>>
        tpu.enqueue_indirect_dma source(%arg9 : memref<128x128xf32, #tpu.memory_space<vmem>>) target(%dma_start3A_35 : memref<10240x128xf32, #tpu.memory_space<vmem_shared>>) offsets(%dma_start3A_32 : memref<128xi32, #tpu.memory_space<vmem>>) semaphore(%run_scoped3A : memref<!tpu.dma_semaphore, #tpu.memory_space<semaphore_mem>>) {add = true}
        %dma_wait3A_36 = arith.constant 0 : i32
        %dma_wait3A_37 = tpu.memref_slice %arg8[%add3A_11, %dma_wait3A_36] : memref<80x128xi32, #tpu.memory_space<vmem>> -> memref<1x128xi32, #tpu.memory_space<vmem>>
        %dma_wait3A_38 = tpu.memref_squeeze %dma_wait3A_37 : memref<1x128xi32, #tpu.memory_space<vmem>> -> memref<128xi32, #tpu.memory_space<vmem>>
        %dma_wait3A_39 = arith.constant 0 : i32
        %dma_wait3A_40 = arith.constant 0 : i32
        %dma_wait3A_41 = tpu.memref_slice %arg10[%dma_wait3A_39, %dma_wait3A_40] : memref<10240x128xf32, #tpu.memory_space<vmem_shared>> -> memref<10240x128xf32, #tpu.memory_space<vmem_shared>>
        tpu.wait_indirect_dma semaphore(%run_scoped3A : memref<!tpu.dma_semaphore, #tpu.memory_space<semaphore_mem>>) src(%arg9 : memref<128x128xf32, #tpu.memory_space<vmem>>) dst(%dma_wait3A_41 : memref<10240x128xf32, #tpu.memory_space<vmem_shared>>)
        tpu.yield
      }) : () -> ()
    }
    %scan3A_4 = arith.constant 80 : i32
    %barrier3A_5 = arith.constant 0 : index
    tpu.barrier barrier_id(%barrier3A_5)
    %mul3A_6 = arith.constant 640 : i32
    %mul3A_7 = arith.muli %arg1, %mul3A_6 : i32
    "tpu.region"() ({
      %run_scoped3A = tpu.sem_alloc : memref<!tpu.dma_semaphore, #tpu.memory_space<semaphore_mem>>
      %dma_start3A = arith.constant 0 : i32
      %dma_start3A_8 = arith.constant 0 : i32
      %dma_start3A_9 = tpu.memref_slice %arg6[%arg0, %dma_start3A, %dma_start3A_8] : memref<2x10240x128xf32, #tpu.memory_space<hbm>> -> memref<1x10240x128xf32, #tpu.memory_space<hbm>>
      %dma_start3A_10 = tpu.memref_squeeze %dma_start3A_9 : memref<1x10240x128xf32, #tpu.memory_space<hbm>> -> memref<10240x128xf32, #tpu.memory_space<hbm>>
      %dma_start3A_11 = arith.constant 0 : i32
      %dma_start3A_12 = tpu.memref_slice %dma_start3A_10[%mul3A_7, %dma_start3A_11] : memref<10240x128xf32, #tpu.memory_space<hbm>> -> memref<640x128xf32, #tpu.memory_space<hbm>>
      %dma_start3A_13 = arith.constant 0 : i32
      %dma_start3A_14 = tpu.memref_slice %arg10[%mul3A_7, %dma_start3A_13] : memref<10240x128xf32, #tpu.memory_space<vmem_shared>> -> memref<640x128xf32, #tpu.memory_space<vmem_shared>>
      tpu.enqueue_dma source(%dma_start3A_14 : memref<640x128xf32, #tpu.memory_space<vmem_shared>>) target(%dma_start3A_12 : memref<640x128xf32, #tpu.memory_space<hbm>>) target_semaphore(%run_scoped3A : memref<!tpu.dma_semaphore, #tpu.memory_space<semaphore_mem>>)
      %dma_wait3A = arith.constant 0 : i32
      %dma_wait3A_15 = arith.constant 0 : i32
      %dma_wait3A_16 = tpu.memref_slice %arg6[%arg0, %dma_wait3A, %dma_wait3A_15] : memref<2x10240x128xf32, #tpu.memory_space<hbm>> -> memref<1x10240x128xf32, #tpu.memory_space<hbm>>
      %dma_wait3A_17 = tpu.memref_squeeze %dma_wait3A_16 : memref<1x10240x128xf32, #tpu.memory_space<hbm>> -> memref<10240x128xf32, #tpu.memory_space<hbm>>
      %dma_wait3A_18 = arith.constant 0 : i32
      %dma_wait3A_19 = tpu.memref_slice %dma_wait3A_17[%mul3A_7, %dma_wait3A_18] : memref<10240x128xf32, #tpu.memory_space<hbm>> -> memref<640x128xf32, #tpu.memory_space<hbm>>
      %dma_wait3A_20 = arith.constant 0 : i32
      %dma_wait3A_21 = tpu.memref_slice %arg10[%mul3A_7, %dma_wait3A_20] : memref<10240x128xf32, #tpu.memory_space<vmem_shared>> -> memref<640x128xf32, #tpu.memory_space<vmem_shared>>
      tpu.wait_dma2 semaphore(%run_scoped3A : memref<!tpu.dma_semaphore, #tpu.memory_space<semaphore_mem>>) src(%dma_wait3A_21 : memref<640x128xf32, #tpu.memory_space<vmem_shared>>) dst(%dma_wait3A_19 : memref<640x128xf32, #tpu.memory_space<hbm>>)
      tpu.yield
    }) : () -> ()
    return
  }
}

#map = affine_map<(d0, d1) -> (0, 0, 0)>
#map1 = affine_map<(d0, d1) -> (0, 0)>
module attributes {stable_mosaic.version = 14 : i64} {
  func.func @k(%arg0: i32, %arg1: i32, %arg2: memref<2x10240x128xf32, #tpu.memory_space<hbm>>, %arg3: memref<16x80x128xi32, #tpu.memory_space<hbm>>, %arg4: memref<16x80x128xi32, #tpu.memory_space<hbm>>, %arg5: memref<640x128xf32, #tpu.memory_space<hbm>>, %arg6: memref<2x10240x128xf32, #tpu.memory_space<hbm>>, %arg7: memref<80x128xi32, #tpu.memory_space<vmem>>, %arg8: memref<80x128xi32, #tpu.memory_space<vmem>>, %arg9: memref<128x128xf32, #tpu.memory_space<vmem>>, %arg10: memref<10240x128xf32, #tpu.memory_space<vmem_shared>>, %arg11: memref<!tpu.dma_semaphore, #tpu.memory_space<semaphore_mem>>) attributes {dimension_semantics = [#tpu.dimension_semantics<core_parallel>, #tpu.dimension_semantics<subcore_parallel>], iteration_bounds = array<i64: 2, 16>, scalar_prefetch = 0 : i64, scratch_operands = 5 : i64, tpu.core_type = #tpu.core_type<sc_vector_subcore>, window_params = [{transform_indices = #map}, {transform_indices = #map}, {transform_indices = #map}, {transform_indices = #map1}, {transform_indices = #map}]} {
    %mul3A = arith.constant 640 : i32
    %mul3A_0 = arith.muli %arg1, %mul3A : i32
    "tpu.region"() ({
      %run_scoped3A = tpu.sem_alloc : memref<!tpu.dma_semaphore, #tpu.memory_space<semaphore_mem>>
      %dma_start3A = arith.constant 0 : i32
      %dma_start3A_8 = tpu.memref_slice %arg10[%mul3A_0, %dma_start3A] : memref<10240x128xf32, #tpu.memory_space<vmem_shared>> -> memref<640x128xf32, #tpu.memory_space<vmem_shared>>
      tpu.enqueue_dma source(%arg5 : memref<640x128xf32, #tpu.memory_space<hbm>>) target(%dma_start3A_8 : memref<640x128xf32, #tpu.memory_space<vmem_shared>>) target_semaphore(%run_scoped3A : memref<!tpu.dma_semaphore, #tpu.memory_space<semaphore_mem>>)
      %dma_wait3A = arith.constant 0 : i32
      %dma_wait3A_9 = tpu.memref_slice %arg10[%mul3A_0, %dma_wait3A] : memref<10240x128xf32, #tpu.memory_space<vmem_shared>> -> memref<640x128xf32, #tpu.memory_space<vmem_shared>>
      tpu.wait_dma2 semaphore(%run_scoped3A : memref<!tpu.dma_semaphore, #tpu.memory_space<semaphore_mem>>) src(%arg5 : memref<640x128xf32, #tpu.memory_space<hbm>>) dst(%dma_wait3A_9 : memref<640x128xf32, #tpu.memory_space<vmem_shared>>)
      tpu.yield
    }) : () -> ()
    "tpu.region"() ({
      %run_scoped3A = tpu.sem_alloc : memref<!tpu.dma_semaphore, #tpu.memory_space<semaphore_mem>>
      %dma_start3A = arith.constant 0 : i32
      %dma_start3A_8 = arith.constant 0 : i32
      %dma_start3A_9 = tpu.memref_slice %arg3[%arg1, %dma_start3A, %dma_start3A_8] : memref<16x80x128xi32, #tpu.memory_space<hbm>> -> memref<1x80x128xi32, #tpu.memory_space<hbm>>
      %dma_start3A_10 = tpu.memref_squeeze %dma_start3A_9 : memref<1x80x128xi32, #tpu.memory_space<hbm>> -> memref<80x128xi32, #tpu.memory_space<hbm>>
      %dma_start3A_11 = arith.constant 0 : i32
      %dma_start3A_12 = arith.constant 0 : i32
      %dma_start3A_13 = tpu.memref_slice %arg3[%arg1, %dma_start3A_11, %dma_start3A_12] : memref<16x80x128xi32, #tpu.memory_space<hbm>> -> memref<1x80x128xi32, #tpu.memory_space<hbm>>
      %dma_start3A_14 = tpu.memref_squeeze %dma_start3A_13 : memref<1x80x128xi32, #tpu.memory_space<hbm>> -> memref<80x128xi32, #tpu.memory_space<hbm>>
      tpu.enqueue_dma source(%dma_start3A_14 : memref<80x128xi32, #tpu.memory_space<hbm>>) target(%arg7 : memref<80x128xi32, #tpu.memory_space<vmem>>) target_semaphore(%run_scoped3A : memref<!tpu.dma_semaphore, #tpu.memory_space<semaphore_mem>>)
      %dma_wait3A = arith.constant 0 : i32
      %dma_wait3A_15 = arith.constant 0 : i32
      %dma_wait3A_16 = tpu.memref_slice %arg3[%arg1, %dma_wait3A, %dma_wait3A_15] : memref<16x80x128xi32, #tpu.memory_space<hbm>> -> memref<1x80x128xi32, #tpu.memory_space<hbm>>
      %dma_wait3A_17 = tpu.memref_squeeze %dma_wait3A_16 : memref<1x80x128xi32, #tpu.memory_space<hbm>> -> memref<80x128xi32, #tpu.memory_space<hbm>>
      %dma_wait3A_18 = arith.constant 0 : i32
      %dma_wait3A_19 = arith.constant 0 : i32
      %dma_wait3A_20 = tpu.memref_slice %arg3[%arg1, %dma_wait3A_18, %dma_wait3A_19] : memref<16x80x128xi32, #tpu.memory_space<hbm>> -> memref<1x80x128xi32, #tpu.memory_space<hbm>>
      %dma_wait3A_21 = tpu.memref_squeeze %dma_wait3A_20 : memref<1x80x128xi32, #tpu.memory_space<hbm>> -> memref<80x128xi32, #tpu.memory_space<hbm>>
      tpu.wait_dma2 semaphore(%run_scoped3A : memref<!tpu.dma_semaphore, #tpu.memory_space<semaphore_mem>>) src(%dma_wait3A_21 : memref<80x128xi32, #tpu.memory_space<hbm>>) dst(%arg7 : memref<80x128xi32, #tpu.memory_space<vmem>>)
      tpu.yield
    }) : () -> ()
    "tpu.region"() ({
      %run_scoped3A = tpu.sem_alloc : memref<!tpu.dma_semaphore, #tpu.memory_space<semaphore_mem>>
      %dma_start3A = arith.constant 0 : i32
      %dma_start3A_8 = arith.constant 0 : i32
      %dma_start3A_9 = tpu.memref_slice %arg4[%arg1, %dma_start3A, %dma_start3A_8] : memref<16x80x128xi32, #tpu.memory_space<hbm>> -> memref<1x80x128xi32, #tpu.memory_space<hbm>>
      %dma_start3A_10 = tpu.memref_squeeze %dma_start3A_9 : memref<1x80x128xi32, #tpu.memory_space<hbm>> -> memref<80x128xi32, #tpu.memory_space<hbm>>
      %dma_start3A_11 = arith.constant 0 : i32
      %dma_start3A_12 = arith.constant 0 : i32
      %dma_start3A_13 = tpu.memref_slice %arg4[%arg1, %dma_start3A_11, %dma_start3A_12] : memref<16x80x128xi32, #tpu.memory_space<hbm>> -> memref<1x80x128xi32, #tpu.memory_space<hbm>>
      %dma_start3A_14 = tpu.memref_squeeze %dma_start3A_13 : memref<1x80x128xi32, #tpu.memory_space<hbm>> -> memref<80x128xi32, #tpu.memory_space<hbm>>
      tpu.enqueue_dma source(%dma_start3A_14 : memref<80x128xi32, #tpu.memory_space<hbm>>) target(%arg8 : memref<80x128xi32, #tpu.memory_space<vmem>>) target_semaphore(%run_scoped3A : memref<!tpu.dma_semaphore, #tpu.memory_space<semaphore_mem>>)
      %dma_wait3A = arith.constant 0 : i32
      %dma_wait3A_15 = arith.constant 0 : i32
      %dma_wait3A_16 = tpu.memref_slice %arg4[%arg1, %dma_wait3A, %dma_wait3A_15] : memref<16x80x128xi32, #tpu.memory_space<hbm>> -> memref<1x80x128xi32, #tpu.memory_space<hbm>>
      %dma_wait3A_17 = tpu.memref_squeeze %dma_wait3A_16 : memref<1x80x128xi32, #tpu.memory_space<hbm>> -> memref<80x128xi32, #tpu.memory_space<hbm>>
      %dma_wait3A_18 = arith.constant 0 : i32
      %dma_wait3A_19 = arith.constant 0 : i32
      %dma_wait3A_20 = tpu.memref_slice %arg4[%arg1, %dma_wait3A_18, %dma_wait3A_19] : memref<16x80x128xi32, #tpu.memory_space<hbm>> -> memref<1x80x128xi32, #tpu.memory_space<hbm>>
      %dma_wait3A_21 = tpu.memref_squeeze %dma_wait3A_20 : memref<1x80x128xi32, #tpu.memory_space<hbm>> -> memref<80x128xi32, #tpu.memory_space<hbm>>
      tpu.wait_dma2 semaphore(%run_scoped3A : memref<!tpu.dma_semaphore, #tpu.memory_space<semaphore_mem>>) src(%dma_wait3A_21 : memref<80x128xi32, #tpu.memory_space<hbm>>) dst(%arg8 : memref<80x128xi32, #tpu.memory_space<vmem>>)
      tpu.yield
    }) : () -> ()
    %barrier3A = arith.constant 0 : index
    tpu.barrier barrier_id(%barrier3A)
    %scan3A = arith.constant 0 : i32
    %scan3A_1 = arith.constant 80 : i32
    %scan3A_2 = arith.addi %scan3A, %scan3A_1 : i32
    %scan3A_3 = arith.constant 1 : i32
    scf.for %scan3A_8 = %scan3A to %scan3A_2 step %scan3A_3  : i32 {
      %mul3A_9 = arith.constant 1 : i32
      %mul3A_10 = arith.muli %scan3A_8, %mul3A_9 : i32
      %add3A = arith.constant 0 : i32
      %add3A_11 = arith.addi %add3A, %mul3A_10 : i32
      %dma_start3A = arith.constant 0 : i32
      %dma_start3A_12 = tpu.memref_slice %arg7[%add3A_11, %dma_start3A] : memref<80x128xi32, #tpu.memory_space<vmem>> -> memref<1x128xi32, #tpu.memory_space<vmem>>
      %dma_start3A_13 = tpu.memref_squeeze %dma_start3A_12 : memref<1x128xi32, #tpu.memory_space<vmem>> -> memref<128xi32, #tpu.memory_space<vmem>>
      %dma_start3A_14 = arith.constant 0 : i32
      %dma_start3A_15 = arith.constant 0 : i32
      %dma_start3A_16 = tpu.memref_slice %arg2[%arg0, %dma_start3A_14, %dma_start3A_15] : memref<2x10240x128xf32, #tpu.memory_space<hbm>> -> memref<1x10240x128xf32, #tpu.memory_space<hbm>>
      %dma_start3A_17 = tpu.memref_squeeze %dma_start3A_16 : memref<1x10240x128xf32, #tpu.memory_space<hbm>> -> memref<10240x128xf32, #tpu.memory_space<hbm>>
      %dma_start3A_18 = arith.constant 0 : i32
      %dma_start3A_19 = arith.constant 0 : i32
      %dma_start3A_20 = tpu.memref_slice %dma_start3A_17[%dma_start3A_18, %dma_start3A_19] : memref<10240x128xf32, #tpu.memory_space<hbm>> -> memref<10240x128xf32, #tpu.memory_space<hbm>>
      tpu.enqueue_indirect_dma source(%dma_start3A_20 : memref<10240x128xf32, #tpu.memory_space<hbm>>) target(%arg9 : memref<128x128xf32, #tpu.memory_space<vmem>>) offsets(%dma_start3A_13 : memref<128xi32, #tpu.memory_space<vmem>>) semaphore(%arg11 : memref<!tpu.dma_semaphore, #tpu.memory_space<semaphore_mem>>)
      %dma_wait3A = arith.constant 0 : i32
      %dma_wait3A_21 = tpu.memref_slice %arg7[%add3A_11, %dma_wait3A] : memref<80x128xi32, #tpu.memory_space<vmem>> -> memref<1x128xi32, #tpu.memory_space<vmem>>
      %dma_wait3A_22 = tpu.memref_squeeze %dma_wait3A_21 : memref<1x128xi32, #tpu.memory_space<vmem>> -> memref<128xi32, #tpu.memory_space<vmem>>
      %dma_wait3A_23 = arith.constant 0 : i32
      %dma_wait3A_24 = arith.constant 0 : i32
      %dma_wait3A_25 = tpu.memref_slice %arg2[%arg0, %dma_wait3A_23, %dma_wait3A_24] : memref<2x10240x128xf32, #tpu.memory_space<hbm>> -> memref<1x10240x128xf32, #tpu.memory_space<hbm>>
      %dma_wait3A_26 = tpu.memref_squeeze %dma_wait3A_25 : memref<1x10240x128xf32, #tpu.memory_space<hbm>> -> memref<10240x128xf32, #tpu.memory_space<hbm>>
      %dma_wait3A_27 = arith.constant 0 : i32
      %dma_wait3A_28 = arith.constant 0 : i32
      %dma_wait3A_29 = tpu.memref_slice %dma_wait3A_26[%dma_wait3A_27, %dma_wait3A_28] : memref<10240x128xf32, #tpu.memory_space<hbm>> -> memref<10240x128xf32, #tpu.memory_space<hbm>>
      tpu.wait_indirect_dma semaphore(%arg11 : memref<!tpu.dma_semaphore, #tpu.memory_space<semaphore_mem>>) src(%dma_wait3A_29 : memref<10240x128xf32, #tpu.memory_space<hbm>>) dst(%arg9 : memref<128x128xf32, #tpu.memory_space<vmem>>)
      "tpu.region"() ({
        %run_scoped3A = tpu.sem_alloc : memref<!tpu.dma_semaphore, #tpu.memory_space<semaphore_mem>>
        %dma_start3A_30 = arith.constant 0 : i32
        %dma_start3A_31 = tpu.memref_slice %arg8[%add3A_11, %dma_start3A_30] : memref<80x128xi32, #tpu.memory_space<vmem>> -> memref<1x128xi32, #tpu.memory_space<vmem>>
        %dma_start3A_32 = tpu.memref_squeeze %dma_start3A_31 : memref<1x128xi32, #tpu.memory_space<vmem>> -> memref<128xi32, #tpu.memory_space<vmem>>
        %dma_start3A_33 = arith.constant 0 : i32
        %dma_start3A_34 = arith.constant 0 : i32
        %dma_start3A_35 = tpu.memref_slice %arg10[%dma_start3A_33, %dma_start3A_34] : memref<10240x128xf32, #tpu.memory_space<vmem_shared>> -> memref<10240x128xf32, #tpu.memory_space<vmem_shared>>
        tpu.enqueue_indirect_dma source(%arg9 : memref<128x128xf32, #tpu.memory_space<vmem>>) target(%dma_start3A_35 : memref<10240x128xf32, #tpu.memory_space<vmem_shared>>) offsets(%dma_start3A_32 : memref<128xi32, #tpu.memory_space<vmem>>) semaphore(%run_scoped3A : memref<!tpu.dma_semaphore, #tpu.memory_space<semaphore_mem>>) {add = true}
        %dma_wait3A_36 = arith.constant 0 : i32
        %dma_wait3A_37 = tpu.memref_slice %arg8[%add3A_11, %dma_wait3A_36] : memref<80x128xi32, #tpu.memory_space<vmem>> -> memref<1x128xi32, #tpu.memory_space<vmem>>
        %dma_wait3A_38 = tpu.memref_squeeze %dma_wait3A_37 : memref<1x128xi32, #tpu.memory_space<vmem>> -> memref<128xi32, #tpu.memory_space<vmem>>
        %dma_wait3A_39 = arith.constant 0 : i32
        %dma_wait3A_40 = arith.constant 0 : i32
        %dma_wait3A_41 = tpu.memref_slice %arg10[%dma_wait3A_39, %dma_wait3A_40] : memref<10240x128xf32, #tpu.memory_space<vmem_shared>> -> memref<10240x128xf32, #tpu.memory_space<vmem_shared>>
        tpu.wait_indirect_dma semaphore(%run_scoped3A : memref<!tpu.dma_semaphore, #tpu.memory_space<semaphore_mem>>) src(%arg9 : memref<128x128xf32, #tpu.memory_space<vmem>>) dst(%dma_wait3A_41 : memref<10240x128xf32, #tpu.memory_space<vmem_shared>>)
        tpu.yield
      }) : () -> ()
    }
    %scan3A_4 = arith.constant 80 : i32
    %barrier3A_5 = arith.constant 0 : index
    tpu.barrier barrier_id(%barrier3A_5)
    %mul3A_6 = arith.constant 640 : i32
    %mul3A_7 = arith.muli %arg1, %mul3A_6 : i32
    "tpu.region"() ({
      %run_scoped3A = tpu.sem_alloc : memref<!tpu.dma_semaphore, #tpu.memory_space<semaphore_mem>>
      %dma_start3A = arith.constant 0 : i32
      %dma_start3A_8 = arith.constant 0 : i32
      %dma_start3A_9 = tpu.memref_slice %arg6[%arg0, %dma_start3A, %dma_start3A_8] : memref<2x10240x128xf32, #tpu.memory_space<hbm>> -> memref<1x10240x128xf32, #tpu.memory_space<hbm>>
      %dma_start3A_10 = tpu.memref_squeeze %dma_start3A_9 : memref<1x10240x128xf32, #tpu.memory_space<hbm>> -> memref<10240x128xf32, #tpu.memory_space<hbm>>
      %dma_start3A_11 = arith.constant 0 : i32
      %dma_start3A_12 = tpu.memref_slice %dma_start3A_10[%mul3A_7, %dma_start3A_11] : memref<10240x128xf32, #tpu.memory_space<hbm>> -> memref<640x128xf32, #tpu.memory_space<hbm>>
      %dma_start3A_13 = arith.constant 0 : i32
      %dma_start3A_14 = tpu.memref_slice %arg10[%mul3A_7, %dma_start3A_13] : memref<10240x128xf32, #tpu.memory_space<vmem_shared>> -> memref<640x128xf32, #tpu.memory_space<vmem_shared>>
      tpu.enqueue_dma source(%dma_start3A_14 : memref<640x128xf32, #tpu.memory_space<vmem_shared>>) target(%dma_start3A_12 : memref<640x128xf32, #tpu.memory_space<hbm>>) target_semaphore(%run_scoped3A : memref<!tpu.dma_semaphore, #tpu.memory_space<semaphore_mem>>)
      %dma_wait3A = arith.constant 0 : i32
      %dma_wait3A_15 = arith.constant 0 : i32
      %dma_wait3A_16 = tpu.memref_slice %arg6[%arg0, %dma_wait3A, %dma_wait3A_15] : memref<2x10240x128xf32, #tpu.memory_space<hbm>> -> memref<1x10240x128xf32, #tpu.memory_space<hbm>>
      %dma_wait3A_17 = tpu.memref_squeeze %dma_wait3A_16 : memref<1x10240x128xf32, #tpu.memory_space<hbm>> -> memref<10240x128xf32, #tpu.memory_space<hbm>>
      %dma_wait3A_18 = arith.constant 0 : i32
      %dma_wait3A_19 = tpu.memref_slice %dma_wait3A_17[%mul3A_7, %dma_wait3A_18] : memref<10240x128xf32, #tpu.memory_space<hbm>> -> memref<640x128xf32, #tpu.memory_space<hbm>>
      %dma_wait3A_20 = arith.constant 0 : i32
      %dma_wait3A_21 = tpu.memref_slice %arg10[%mul3A_7, %dma_wait3A_20] : memref<10240x128xf32, #tpu.memory_space<vmem_shared>> -> memref<640x128xf32, #tpu.memory_space<vmem_shared>>
      tpu.wait_dma2 semaphore(%run_scoped3A : memref<!tpu.dma_semaphore, #tpu.memory_space<semaphore_mem>>) src(%dma_wait3A_21 : memref<640x128xf32, #tpu.memory_space<vmem_shared>>) dst(%dma_wait3A_19 : memref<640x128xf32, #tpu.memory_space<hbm>>)
      tpu.yield
    }) : () -> ()
    return
  }
}

#map = affine_map<(d0, d1) -> (0, 0, 0)>
#map1 = affine_map<(d0, d1) -> (0, 0)>
module attributes {stable_mosaic.version = 14 : i64} {
  func.func @k(%arg0: i32, %arg1: i32, %arg2: memref<2x10240x128xf32, #tpu.memory_space<hbm>>, %arg3: memref<16x80x128xi32, #tpu.memory_space<hbm>>, %arg4: memref<16x80x128xi32, #tpu.memory_space<hbm>>, %arg5: memref<640x128xf32, #tpu.memory_space<hbm>>, %arg6: memref<2x10240x128xf32, #tpu.memory_space<hbm>>, %arg7: memref<80x128xi32, #tpu.memory_space<vmem>>, %arg8: memref<80x128xi32, #tpu.memory_space<vmem>>, %arg9: memref<128x128xf32, #tpu.memory_space<vmem>>, %arg10: memref<10240x128xf32, #tpu.memory_space<vmem_shared>>, %arg11: memref<!tpu.dma_semaphore, #tpu.memory_space<semaphore_mem>>) attributes {dimension_semantics = [#tpu.dimension_semantics<core_parallel>, #tpu.dimension_semantics<subcore_parallel>], iteration_bounds = array<i64: 2, 16>, scalar_prefetch = 0 : i64, scratch_operands = 5 : i64, tpu.core_type = #tpu.core_type<sc_vector_subcore>, window_params = [{transform_indices = #map}, {transform_indices = #map}, {transform_indices = #map}, {transform_indices = #map1}, {transform_indices = #map}]} {
    %mul3A = arith.constant 640 : i32
    %mul3A_0 = arith.muli %arg1, %mul3A : i32
    "tpu.region"() ({
      %run_scoped3A = tpu.sem_alloc : memref<!tpu.dma_semaphore, #tpu.memory_space<semaphore_mem>>
      %dma_start3A = arith.constant 0 : i32
      %dma_start3A_8 = tpu.memref_slice %arg10[%mul3A_0, %dma_start3A] : memref<10240x128xf32, #tpu.memory_space<vmem_shared>> -> memref<640x128xf32, #tpu.memory_space<vmem_shared>>
      tpu.enqueue_dma source(%arg5 : memref<640x128xf32, #tpu.memory_space<hbm>>) target(%dma_start3A_8 : memref<640x128xf32, #tpu.memory_space<vmem_shared>>) target_semaphore(%run_scoped3A : memref<!tpu.dma_semaphore, #tpu.memory_space<semaphore_mem>>)
      %dma_wait3A = arith.constant 0 : i32
      %dma_wait3A_9 = tpu.memref_slice %arg10[%mul3A_0, %dma_wait3A] : memref<10240x128xf32, #tpu.memory_space<vmem_shared>> -> memref<640x128xf32, #tpu.memory_space<vmem_shared>>
      tpu.wait_dma2 semaphore(%run_scoped3A : memref<!tpu.dma_semaphore, #tpu.memory_space<semaphore_mem>>) src(%arg5 : memref<640x128xf32, #tpu.memory_space<hbm>>) dst(%dma_wait3A_9 : memref<640x128xf32, #tpu.memory_space<vmem_shared>>)
      tpu.yield
    }) : () -> ()
    "tpu.region"() ({
      %run_scoped3A = tpu.sem_alloc : memref<!tpu.dma_semaphore, #tpu.memory_space<semaphore_mem>>
      %dma_start3A = arith.constant 0 : i32
      %dma_start3A_8 = arith.constant 0 : i32
      %dma_start3A_9 = tpu.memref_slice %arg3[%arg1, %dma_start3A, %dma_start3A_8] : memref<16x80x128xi32, #tpu.memory_space<hbm>> -> memref<1x80x128xi32, #tpu.memory_space<hbm>>
      %dma_start3A_10 = tpu.memref_squeeze %dma_start3A_9 : memref<1x80x128xi32, #tpu.memory_space<hbm>> -> memref<80x128xi32, #tpu.memory_space<hbm>>
      %dma_start3A_11 = arith.constant 0 : i32
      %dma_start3A_12 = arith.constant 0 : i32
      %dma_start3A_13 = tpu.memref_slice %arg3[%arg1, %dma_start3A_11, %dma_start3A_12] : memref<16x80x128xi32, #tpu.memory_space<hbm>> -> memref<1x80x128xi32, #tpu.memory_space<hbm>>
      %dma_start3A_14 = tpu.memref_squeeze %dma_start3A_13 : memref<1x80x128xi32, #tpu.memory_space<hbm>> -> memref<80x128xi32, #tpu.memory_space<hbm>>
      tpu.enqueue_dma source(%dma_start3A_14 : memref<80x128xi32, #tpu.memory_space<hbm>>) target(%arg7 : memref<80x128xi32, #tpu.memory_space<vmem>>) target_semaphore(%run_scoped3A : memref<!tpu.dma_semaphore, #tpu.memory_space<semaphore_mem>>)
      %dma_wait3A = arith.constant 0 : i32
      %dma_wait3A_15 = arith.constant 0 : i32
      %dma_wait3A_16 = tpu.memref_slice %arg3[%arg1, %dma_wait3A, %dma_wait3A_15] : memref<16x80x128xi32, #tpu.memory_space<hbm>> -> memref<1x80x128xi32, #tpu.memory_space<hbm>>
      %dma_wait3A_17 = tpu.memref_squeeze %dma_wait3A_16 : memref<1x80x128xi32, #tpu.memory_space<hbm>> -> memref<80x128xi32, #tpu.memory_space<hbm>>
      %dma_wait3A_18 = arith.constant 0 : i32
      %dma_wait3A_19 = arith.constant 0 : i32
      %dma_wait3A_20 = tpu.memref_slice %arg3[%arg1, %dma_wait3A_18, %dma_wait3A_19] : memref<16x80x128xi32, #tpu.memory_space<hbm>> -> memref<1x80x128xi32, #tpu.memory_space<hbm>>
      %dma_wait3A_21 = tpu.memref_squeeze %dma_wait3A_20 : memref<1x80x128xi32, #tpu.memory_space<hbm>> -> memref<80x128xi32, #tpu.memory_space<hbm>>
      tpu.wait_dma2 semaphore(%run_scoped3A : memref<!tpu.dma_semaphore, #tpu.memory_space<semaphore_mem>>) src(%dma_wait3A_21 : memref<80x128xi32, #tpu.memory_space<hbm>>) dst(%arg7 : memref<80x128xi32, #tpu.memory_space<vmem>>)
      tpu.yield
    }) : () -> ()
    "tpu.region"() ({
      %run_scoped3A = tpu.sem_alloc : memref<!tpu.dma_semaphore, #tpu.memory_space<semaphore_mem>>
      %dma_start3A = arith.constant 0 : i32
      %dma_start3A_8 = arith.constant 0 : i32
      %dma_start3A_9 = tpu.memref_slice %arg4[%arg1, %dma_start3A, %dma_start3A_8] : memref<16x80x128xi32, #tpu.memory_space<hbm>> -> memref<1x80x128xi32, #tpu.memory_space<hbm>>
      %dma_start3A_10 = tpu.memref_squeeze %dma_start3A_9 : memref<1x80x128xi32, #tpu.memory_space<hbm>> -> memref<80x128xi32, #tpu.memory_space<hbm>>
      %dma_start3A_11 = arith.constant 0 : i32
      %dma_start3A_12 = arith.constant 0 : i32
      %dma_start3A_13 = tpu.memref_slice %arg4[%arg1, %dma_start3A_11, %dma_start3A_12] : memref<16x80x128xi32, #tpu.memory_space<hbm>> -> memref<1x80x128xi32, #tpu.memory_space<hbm>>
      %dma_start3A_14 = tpu.memref_squeeze %dma_start3A_13 : memref<1x80x128xi32, #tpu.memory_space<hbm>> -> memref<80x128xi32, #tpu.memory_space<hbm>>
      tpu.enqueue_dma source(%dma_start3A_14 : memref<80x128xi32, #tpu.memory_space<hbm>>) target(%arg8 : memref<80x128xi32, #tpu.memory_space<vmem>>) target_semaphore(%run_scoped3A : memref<!tpu.dma_semaphore, #tpu.memory_space<semaphore_mem>>)
      %dma_wait3A = arith.constant 0 : i32
      %dma_wait3A_15 = arith.constant 0 : i32
      %dma_wait3A_16 = tpu.memref_slice %arg4[%arg1, %dma_wait3A, %dma_wait3A_15] : memref<16x80x128xi32, #tpu.memory_space<hbm>> -> memref<1x80x128xi32, #tpu.memory_space<hbm>>
      %dma_wait3A_17 = tpu.memref_squeeze %dma_wait3A_16 : memref<1x80x128xi32, #tpu.memory_space<hbm>> -> memref<80x128xi32, #tpu.memory_space<hbm>>
      %dma_wait3A_18 = arith.constant 0 : i32
      %dma_wait3A_19 = arith.constant 0 : i32
      %dma_wait3A_20 = tpu.memref_slice %arg4[%arg1, %dma_wait3A_18, %dma_wait3A_19] : memref<16x80x128xi32, #tpu.memory_space<hbm>> -> memref<1x80x128xi32, #tpu.memory_space<hbm>>
      %dma_wait3A_21 = tpu.memref_squeeze %dma_wait3A_20 : memref<1x80x128xi32, #tpu.memory_space<hbm>> -> memref<80x128xi32, #tpu.memory_space<hbm>>
      tpu.wait_dma2 semaphore(%run_scoped3A : memref<!tpu.dma_semaphore, #tpu.memory_space<semaphore_mem>>) src(%dma_wait3A_21 : memref<80x128xi32, #tpu.memory_space<hbm>>) dst(%arg8 : memref<80x128xi32, #tpu.memory_space<vmem>>)
      tpu.yield
    }) : () -> ()
    %barrier3A = arith.constant 0 : index
    tpu.barrier barrier_id(%barrier3A)
    %scan3A = arith.constant 0 : i32
    %scan3A_1 = arith.constant 80 : i32
    %scan3A_2 = arith.addi %scan3A, %scan3A_1 : i32
    %scan3A_3 = arith.constant 1 : i32
    scf.for %scan3A_8 = %scan3A to %scan3A_2 step %scan3A_3  : i32 {
      %mul3A_9 = arith.constant 1 : i32
      %mul3A_10 = arith.muli %scan3A_8, %mul3A_9 : i32
      %add3A = arith.constant 0 : i32
      %add3A_11 = arith.addi %add3A, %mul3A_10 : i32
      %dma_start3A = arith.constant 0 : i32
      %dma_start3A_12 = tpu.memref_slice %arg7[%add3A_11, %dma_start3A] : memref<80x128xi32, #tpu.memory_space<vmem>> -> memref<1x128xi32, #tpu.memory_space<vmem>>
      %dma_start3A_13 = tpu.memref_squeeze %dma_start3A_12 : memref<1x128xi32, #tpu.memory_space<vmem>> -> memref<128xi32, #tpu.memory_space<vmem>>
      %dma_start3A_14 = arith.constant 0 : i32
      %dma_start3A_15 = arith.constant 0 : i32
      %dma_start3A_16 = tpu.memref_slice %arg2[%arg0, %dma_start3A_14, %dma_start3A_15] : memref<2x10240x128xf32, #tpu.memory_space<hbm>> -> memref<1x10240x128xf32, #tpu.memory_space<hbm>>
      %dma_start3A_17 = tpu.memref_squeeze %dma_start3A_16 : memref<1x10240x128xf32, #tpu.memory_space<hbm>> -> memref<10240x128xf32, #tpu.memory_space<hbm>>
      %dma_start3A_18 = arith.constant 0 : i32
      %dma_start3A_19 = arith.constant 0 : i32
      %dma_start3A_20 = tpu.memref_slice %dma_start3A_17[%dma_start3A_18, %dma_start3A_19] : memref<10240x128xf32, #tpu.memory_space<hbm>> -> memref<10240x128xf32, #tpu.memory_space<hbm>>
      tpu.enqueue_indirect_dma source(%dma_start3A_20 : memref<10240x128xf32, #tpu.memory_space<hbm>>) target(%arg9 : memref<128x128xf32, #tpu.memory_space<vmem>>) offsets(%dma_start3A_13 : memref<128xi32, #tpu.memory_space<vmem>>) semaphore(%arg11 : memref<!tpu.dma_semaphore, #tpu.memory_space<semaphore_mem>>)
      %dma_wait3A = arith.constant 0 : i32
      %dma_wait3A_21 = tpu.memref_slice %arg7[%add3A_11, %dma_wait3A] : memref<80x128xi32, #tpu.memory_space<vmem>> -> memref<1x128xi32, #tpu.memory_space<vmem>>
      %dma_wait3A_22 = tpu.memref_squeeze %dma_wait3A_21 : memref<1x128xi32, #tpu.memory_space<vmem>> -> memref<128xi32, #tpu.memory_space<vmem>>
      %dma_wait3A_23 = arith.constant 0 : i32
      %dma_wait3A_24 = arith.constant 0 : i32
      %dma_wait3A_25 = tpu.memref_slice %arg2[%arg0, %dma_wait3A_23, %dma_wait3A_24] : memref<2x10240x128xf32, #tpu.memory_space<hbm>> -> memref<1x10240x128xf32, #tpu.memory_space<hbm>>
      %dma_wait3A_26 = tpu.memref_squeeze %dma_wait3A_25 : memref<1x10240x128xf32, #tpu.memory_space<hbm>> -> memref<10240x128xf32, #tpu.memory_space<hbm>>
      %dma_wait3A_27 = arith.constant 0 : i32
      %dma_wait3A_28 = arith.constant 0 : i32
      %dma_wait3A_29 = tpu.memref_slice %dma_wait3A_26[%dma_wait3A_27, %dma_wait3A_28] : memref<10240x128xf32, #tpu.memory_space<hbm>> -> memref<10240x128xf32, #tpu.memory_space<hbm>>
      tpu.wait_indirect_dma semaphore(%arg11 : memref<!tpu.dma_semaphore, #tpu.memory_space<semaphore_mem>>) src(%dma_wait3A_29 : memref<10240x128xf32, #tpu.memory_space<hbm>>) dst(%arg9 : memref<128x128xf32, #tpu.memory_space<vmem>>)
      "tpu.region"() ({
        %run_scoped3A = tpu.sem_alloc : memref<!tpu.dma_semaphore, #tpu.memory_space<semaphore_mem>>
        %dma_start3A_30 = arith.constant 0 : i32
        %dma_start3A_31 = tpu.memref_slice %arg8[%add3A_11, %dma_start3A_30] : memref<80x128xi32, #tpu.memory_space<vmem>> -> memref<1x128xi32, #tpu.memory_space<vmem>>
        %dma_start3A_32 = tpu.memref_squeeze %dma_start3A_31 : memref<1x128xi32, #tpu.memory_space<vmem>> -> memref<128xi32, #tpu.memory_space<vmem>>
        %dma_start3A_33 = arith.constant 0 : i32
        %dma_start3A_34 = arith.constant 0 : i32
        %dma_start3A_35 = tpu.memref_slice %arg10[%dma_start3A_33, %dma_start3A_34] : memref<10240x128xf32, #tpu.memory_space<vmem_shared>> -> memref<10240x128xf32, #tpu.memory_space<vmem_shared>>
        tpu.enqueue_indirect_dma source(%arg9 : memref<128x128xf32, #tpu.memory_space<vmem>>) target(%dma_start3A_35 : memref<10240x128xf32, #tpu.memory_space<vmem_shared>>) offsets(%dma_start3A_32 : memref<128xi32, #tpu.memory_space<vmem>>) semaphore(%run_scoped3A : memref<!tpu.dma_semaphore, #tpu.memory_space<semaphore_mem>>) {add = true}
        %dma_wait3A_36 = arith.constant 0 : i32
        %dma_wait3A_37 = tpu.memref_slice %arg8[%add3A_11, %dma_wait3A_36] : memref<80x128xi32, #tpu.memory_space<vmem>> -> memref<1x128xi32, #tpu.memory_space<vmem>>
        %dma_wait3A_38 = tpu.memref_squeeze %dma_wait3A_37 : memref<1x128xi32, #tpu.memory_space<vmem>> -> memref<128xi32, #tpu.memory_space<vmem>>
        %dma_wait3A_39 = arith.constant 0 : i32
        %dma_wait3A_40 = arith.constant 0 : i32
        %dma_wait3A_41 = tpu.memref_slice %arg10[%dma_wait3A_39, %dma_wait3A_40] : memref<10240x128xf32, #tpu.memory_space<vmem_shared>> -> memref<10240x128xf32, #tpu.memory_space<vmem_shared>>
        tpu.wait_indirect_dma semaphore(%run_scoped3A : memref<!tpu.dma_semaphore, #tpu.memory_space<semaphore_mem>>) src(%arg9 : memref<128x128xf32, #tpu.memory_space<vmem>>) dst(%dma_wait3A_41 : memref<10240x128xf32, #tpu.memory_space<vmem_shared>>)
        tpu.yield
      }) : () -> ()
    }
    %scan3A_4 = arith.constant 80 : i32
    %barrier3A_5 = arith.constant 0 : index
    tpu.barrier barrier_id(%barrier3A_5)
    %mul3A_6 = arith.constant 640 : i32
    %mul3A_7 = arith.muli %arg1, %mul3A_6 : i32
    "tpu.region"() ({
      %run_scoped3A = tpu.sem_alloc : memref<!tpu.dma_semaphore, #tpu.memory_space<semaphore_mem>>
      %dma_start3A = arith.constant 0 : i32
      %dma_start3A_8 = arith.constant 0 : i32
      %dma_start3A_9 = tpu.memref_slice %arg6[%arg0, %dma_start3A, %dma_start3A_8] : memref<2x10240x128xf32, #tpu.memory_space<hbm>> -> memref<1x10240x128xf32, #tpu.memory_space<hbm>>
      %dma_start3A_10 = tpu.memref_squeeze %dma_start3A_9 : memref<1x10240x128xf32, #tpu.memory_space<hbm>> -> memref<10240x128xf32, #tpu.memory_space<hbm>>
      %dma_start3A_11 = arith.constant 0 : i32
      %dma_start3A_12 = tpu.memref_slice %dma_start3A_10[%mul3A_7, %dma_start3A_11] : memref<10240x128xf32, #tpu.memory_space<hbm>> -> memref<640x128xf32, #tpu.memory_space<hbm>>
      %dma_start3A_13 = arith.constant 0 : i32
      %dma_start3A_14 = tpu.memref_slice %arg10[%mul3A_7, %dma_start3A_13] : memref<10240x128xf32, #tpu.memory_space<vmem_shared>> -> memref<640x128xf32, #tpu.memory_space<vmem_shared>>
      tpu.enqueue_dma source(%dma_start3A_14 : memref<640x128xf32, #tpu.memory_space<vmem_shared>>) target(%dma_start3A_12 : memref<640x128xf32, #tpu.memory_space<hbm>>) target_semaphore(%run_scoped3A : memref<!tpu.dma_semaphore, #tpu.memory_space<semaphore_mem>>)
      %dma_wait3A = arith.constant 0 : i32
      %dma_wait3A_15 = arith.constant 0 : i32
      %dma_wait3A_16 = tpu.memref_slice %arg6[%arg0, %dma_wait3A, %dma_wait3A_15] : memref<2x10240x128xf32, #tpu.memory_space<hbm>> -> memref<1x10240x128xf32, #tpu.memory_space<hbm>>
      %dma_wait3A_17 = tpu.memref_squeeze %dma_wait3A_16 : memref<1x10240x128xf32, #tpu.memory_space<hbm>> -> memref<10240x128xf32, #tpu.memory_space<hbm>>
      %dma_wait3A_18 = arith.constant 0 : i32
      %dma_wait3A_19 = tpu.memref_slice %dma_wait3A_17[%mul3A_7, %dma_wait3A_18] : memref<10240x128xf32, #tpu.memory_space<hbm>> -> memref<640x128xf32, #tpu.memory_space<hbm>>
      %dma_wait3A_20 = arith.constant 0 : i32
      %dma_wait3A_21 = tpu.memref_slice %arg10[%mul3A_7, %dma_wait3A_20] : memref<10240x128xf32, #tpu.memory_space<vmem_shared>> -> memref<640x128xf32, #tpu.memory_space<vmem_shared>>
      tpu.wait_dma2 semaphore(%run_scoped3A : memref<!tpu.dma_semaphore, #tpu.memory_space<semaphore_mem>>) src(%dma_wait3A_21 : memref<640x128xf32, #tpu.memory_space<vmem_shared>>) dst(%dma_wait3A_19 : memref<640x128xf32, #tpu.memory_space<hbm>>)
      tpu.yield
    }) : () -> ()
    return
  }
}

#map = affine_map<(d0, d1) -> (0, 0, 0)>
#map1 = affine_map<(d0, d1) -> (0, 0)>
module attributes {stable_mosaic.version = 14 : i64} {
  func.func @k(%arg0: i32, %arg1: i32, %arg2: memref<16x80x128xi32, #tpu.memory_space<hbm>>, %arg3: memref<640x128xf32, #tpu.memory_space<hbm>>, %arg4: memref<128x128xf32, #tpu.memory_space<hbm>>, %arg5: memref<10240x128xf32, #tpu.memory_space<hbm>>, %arg6: memref<80x128xi32, #tpu.memory_space<vmem>>, %arg7: memref<128x128xf32, #tpu.memory_space<vmem>>, %arg8: memref<10240x128xf32, #tpu.memory_space<vmem_shared>>) attributes {dimension_semantics = [#tpu.dimension_semantics<core_parallel>, #tpu.dimension_semantics<subcore_parallel>], iteration_bounds = array<i64: 2, 16>, scalar_prefetch = 0 : i64, scratch_operands = 3 : i64, tpu.core_type = #tpu.core_type<sc_vector_subcore>, window_params = [{transform_indices = #map}, {transform_indices = #map1}, {transform_indices = #map1}, {transform_indices = #map1}]} {
    %eq3A = arith.constant 0 : i32
    %eq3A_0 = arith.cmpi eq, %arg0, %eq3A : i32
    %convert_element_type3A = arith.extui %eq3A_0 : i1 to i32
    %cond3A = arith.constant 0 : i32
    %cond3A_1 = arith.cmpi ne, %convert_element_type3A, %cond3A : i32
    scf.if %cond3A_1 {
      %mul3A = arith.constant 640 : i32
      %mul3A_13 = arith.muli %arg1, %mul3A : i32
      "tpu.region"() ({
        %run_scoped3A = tpu.sem_alloc : memref<!tpu.dma_semaphore, #tpu.memory_space<semaphore_mem>>
        %dma_start3A = arith.constant 0 : i32
        %dma_start3A_14 = tpu.memref_slice %arg8[%mul3A_13, %dma_start3A] : memref<10240x128xf32, #tpu.memory_space<vmem_shared>> -> memref<640x128xf32, #tpu.memory_space<vmem_shared>>
        tpu.enqueue_dma source(%arg3 : memref<640x128xf32, #tpu.memory_space<hbm>>) target(%dma_start3A_14 : memref<640x128xf32, #tpu.memory_space<vmem_shared>>) target_semaphore(%run_scoped3A : memref<!tpu.dma_semaphore, #tpu.memory_space<semaphore_mem>>)
        %dma_wait3A = arith.constant 0 : i32
        %dma_wait3A_15 = tpu.memref_slice %arg8[%mul3A_13, %dma_wait3A] : memref<10240x128xf32, #tpu.memory_space<vmem_shared>> -> memref<640x128xf32, #tpu.memory_space<vmem_shared>>
        tpu.wait_dma2 semaphore(%run_scoped3A : memref<!tpu.dma_semaphore, #tpu.memory_space<semaphore_mem>>) src(%arg3 : memref<640x128xf32, #tpu.memory_space<hbm>>) dst(%dma_wait3A_15 : memref<640x128xf32, #tpu.memory_space<vmem_shared>>)
        tpu.yield
      }) : () -> ()
      "tpu.region"() ({
        %run_scoped3A = tpu.sem_alloc : memref<!tpu.dma_semaphore, #tpu.memory_space<semaphore_mem>>
        %dma_start3A = arith.constant 0 : i32
        %dma_start3A_14 = arith.constant 0 : i32
        %dma_start3A_15 = tpu.memref_slice %arg2[%arg1, %dma_start3A, %dma_start3A_14] : memref<16x80x128xi32, #tpu.memory_space<hbm>> -> memref<1x80x128xi32, #tpu.memory_space<hbm>>
        %dma_start3A_16 = tpu.memref_squeeze %dma_start3A_15 : memref<1x80x128xi32, #tpu.memory_space<hbm>> -> memref<80x128xi32, #tpu.memory_space<hbm>>
        %dma_start3A_17 = arith.constant 0 : i32
        %dma_start3A_18 = arith.constant 0 : i32
        %dma_start3A_19 = tpu.memref_slice %arg2[%arg1, %dma_start3A_17, %dma_start3A_18] : memref<16x80x128xi32, #tpu.memory_space<hbm>> -> memref<1x80x128xi32, #tpu.memory_space<hbm>>
        %dma_start3A_20 = tpu.memref_squeeze %dma_start3A_19 : memref<1x80x128xi32, #tpu.memory_space<hbm>> -> memref<80x128xi32, #tpu.memory_space<hbm>>
        tpu.enqueue_dma source(%dma_start3A_20 : memref<80x128xi32, #tpu.memory_space<hbm>>) target(%arg6 : memref<80x128xi32, #tpu.memory_space<vmem>>) target_semaphore(%run_scoped3A : memref<!tpu.dma_semaphore, #tpu.memory_space<semaphore_mem>>)
        %dma_wait3A = arith.constant 0 : i32
        %dma_wait3A_21 = arith.constant 0 : i32
        %dma_wait3A_22 = tpu.memref_slice %arg2[%arg1, %dma_wait3A, %dma_wait3A_21] : memref<16x80x128xi32, #tpu.memory_space<hbm>> -> memref<1x80x128xi32, #tpu.memory_space<hbm>>
        %dma_wait3A_23 = tpu.memref_squeeze %dma_wait3A_22 : memref<1x80x128xi32, #tpu.memory_space<hbm>> -> memref<80x128xi32, #tpu.memory_space<hbm>>
        %dma_wait3A_24 = arith.constant 0 : i32
        %dma_wait3A_25 = arith.constant 0 : i32
        %dma_wait3A_26 = tpu.memref_slice %arg2[%arg1, %dma_wait3A_24, %dma_wait3A_25] : memref<16x80x128xi32, #tpu.memory_space<hbm>> -> memref<1x80x128xi32, #tpu.memory_space<hbm>>
        %dma_wait3A_27 = tpu.memref_squeeze %dma_wait3A_26 : memref<1x80x128xi32, #tpu.memory_space<hbm>> -> memref<80x128xi32, #tpu.memory_space<hbm>>
        tpu.wait_dma2 semaphore(%run_scoped3A : memref<!tpu.dma_semaphore, #tpu.memory_space<semaphore_mem>>) src(%dma_wait3A_27 : memref<80x128xi32, #tpu.memory_space<hbm>>) dst(%arg6 : memref<80x128xi32, #tpu.memory_space<vmem>>)
        tpu.yield
      }) : () -> ()
      "tpu.region"() ({
        %run_scoped3A = tpu.sem_alloc : memref<!tpu.dma_semaphore, #tpu.memory_space<semaphore_mem>>
        tpu.enqueue_dma source(%arg4 : memref<128x128xf32, #tpu.memory_space<hbm>>) target(%arg7 : memref<128x128xf32, #tpu.memory_space<vmem>>) target_semaphore(%run_scoped3A : memref<!tpu.dma_semaphore, #tpu.memory_space<semaphore_mem>>)
        tpu.wait_dma2 semaphore(%run_scoped3A : memref<!tpu.dma_semaphore, #tpu.memory_space<semaphore_mem>>) src(%arg4 : memref<128x128xf32, #tpu.memory_space<hbm>>) dst(%arg7 : memref<128x128xf32, #tpu.memory_space<vmem>>)
        tpu.yield
      }) : () -> ()
    } else {
    }
    %barrier3A = arith.constant 0 : index
    tpu.barrier barrier_id(%barrier3A)
    %eq3A_2 = arith.constant 0 : i32
    %eq3A_3 = arith.cmpi eq, %arg0, %eq3A_2 : i32
    %convert_element_type3A_4 = arith.extui %eq3A_3 : i1 to i32
    %cond3A_5 = arith.constant 0 : i32
    %cond3A_6 = arith.cmpi ne, %convert_element_type3A_4, %cond3A_5 : i32
    scf.if %cond3A_6 {
      %scan3A = arith.constant 0 : i32
      %scan3A_13 = arith.constant 80 : i32
      %scan3A_14 = arith.addi %scan3A, %scan3A_13 : i32
      %scan3A_15 = arith.constant 1 : i32
      scf.for %scan3A_17 = %scan3A to %scan3A_14 step %scan3A_15  : i32 {
        %mul3A = arith.constant 1 : i32
        %mul3A_18 = arith.muli %scan3A_17, %mul3A : i32
        %add3A = arith.constant 0 : i32
        %add3A_19 = arith.addi %add3A, %mul3A_18 : i32
        "tpu.region"() ({
          %run_scoped3A = tpu.sem_alloc : memref<!tpu.dma_semaphore, #tpu.memory_space<semaphore_mem>>
          %dma_start3A = arith.constant 0 : i32
          %dma_start3A_20 = tpu.memref_slice %arg6[%add3A_19, %dma_start3A] : memref<80x128xi32, #tpu.memory_space<vmem>> -> memref<1x128xi32, #tpu.memory_space<vmem>>
          %dma_start3A_21 = tpu.memref_squeeze %dma_start3A_20 : memref<1x128xi32, #tpu.memory_space<vmem>> -> memref<128xi32, #tpu.memory_space<vmem>>
          %dma_start3A_22 = arith.constant 0 : i32
          %dma_start3A_23 = arith.constant 0 : i32
          %dma_start3A_24 = tpu.memref_slice %arg8[%dma_start3A_22, %dma_start3A_23] : memref<10240x128xf32, #tpu.memory_space<vmem_shared>> -> memref<10240x128xf32, #tpu.memory_space<vmem_shared>>
          tpu.enqueue_indirect_dma source(%arg7 : memref<128x128xf32, #tpu.memory_space<vmem>>) target(%dma_start3A_24 : memref<10240x128xf32, #tpu.memory_space<vmem_shared>>) offsets(%dma_start3A_21 : memref<128xi32, #tpu.memory_space<vmem>>) semaphore(%run_scoped3A : memref<!tpu.dma_semaphore, #tpu.memory_space<semaphore_mem>>) {add = true}
          %dma_wait3A = arith.constant 0 : i32
          %dma_wait3A_25 = tpu.memref_slice %arg6[%add3A_19, %dma_wait3A] : memref<80x128xi32, #tpu.memory_space<vmem>> -> memref<1x128xi32, #tpu.memory_space<vmem>>
          %dma_wait3A_26 = tpu.memref_squeeze %dma_wait3A_25 : memref<1x128xi32, #tpu.memory_space<vmem>> -> memref<128xi32, #tpu.memory_space<vmem>>
          %dma_wait3A_27 = arith.constant 0 : i32
          %dma_wait3A_28 = arith.constant 0 : i32
          %dma_wait3A_29 = tpu.memref_slice %arg8[%dma_wait3A_27, %dma_wait3A_28] : memref<10240x128xf32, #tpu.memory_space<vmem_shared>> -> memref<10240x128xf32, #tpu.memory_space<vmem_shared>>
          tpu.wait_indirect_dma semaphore(%run_scoped3A : memref<!tpu.dma_semaphore, #tpu.memory_space<semaphore_mem>>) src(%arg7 : memref<128x128xf32, #tpu.memory_space<vmem>>) dst(%dma_wait3A_29 : memref<10240x128xf32, #tpu.memory_space<vmem_shared>>)
          tpu.yield
        }) : () -> ()
      }
      %scan3A_16 = arith.constant 80 : i32
    } else {
    }
    %barrier3A_7 = arith.constant 0 : index
    tpu.barrier barrier_id(%barrier3A_7)
    %eq3A_8 = arith.constant 0 : i32
    %eq3A_9 = arith.cmpi eq, %arg0, %eq3A_8 : i32
    %convert_element_type3A_10 = arith.extui %eq3A_9 : i1 to i32
    %cond3A_11 = arith.constant 0 : i32
    %cond3A_12 = arith.cmpi ne, %convert_element_type3A_10, %cond3A_11 : i32
    scf.if %cond3A_12 {
      %mul3A = arith.constant 640 : i32
      %mul3A_13 = arith.muli %arg1, %mul3A : i32
      "tpu.region"() ({
        %run_scoped3A = tpu.sem_alloc : memref<!tpu.dma_semaphore, #tpu.memory_space<semaphore_mem>>
        %dma_start3A = arith.constant 0 : i32
        %dma_start3A_14 = tpu.memref_slice %arg5[%mul3A_13, %dma_start3A] : memref<10240x128xf32, #tpu.memory_space<hbm>> -> memref<640x128xf32, #tpu.memory_space<hbm>>
        %dma_start3A_15 = arith.constant 0 : i32
        %dma_start3A_16 = tpu.memref_slice %arg8[%mul3A_13, %dma_start3A_15] : memref<10240x128xf32, #tpu.memory_space<vmem_shared>> -> memref<640x128xf32, #tpu.memory_space<vmem_shared>>
        tpu.enqueue_dma source(%dma_start3A_16 : memref<640x128xf32, #tpu.memory_space<vmem_shared>>) target(%dma_start3A_14 : memref<640x128xf32, #tpu.memory_space<hbm>>) target_semaphore(%run_scoped3A : memref<!tpu.dma_semaphore, #tpu.memory_space<semaphore_mem>>)
        %dma_wait3A = arith.constant 0 : i32
        %dma_wait3A_17 = tpu.memref_slice %arg5[%mul3A_13, %dma_wait3A] : memref<10240x128xf32, #tpu.memory_space<hbm>> -> memref<640x128xf32, #tpu.memory_space<hbm>>
        %dma_wait3A_18 = arith.constant 0 : i32
        %dma_wait3A_19 = tpu.memref_slice %arg8[%mul3A_13, %dma_wait3A_18] : memref<10240x128xf32, #tpu.memory_space<vmem_shared>> -> memref<640x128xf32, #tpu.memory_space<vmem_shared>>
        tpu.wait_dma2 semaphore(%run_scoped3A : memref<!tpu.dma_semaphore, #tpu.memory_space<semaphore_mem>>) src(%dma_wait3A_19 : memref<640x128xf32, #tpu.memory_space<vmem_shared>>) dst(%dma_wait3A_17 : memref<640x128xf32, #tpu.memory_space<hbm>>)
        tpu.yield
      }) : () -> ()
    } else {
    }
    return
  }
}

module attributes {stable_mosaic.version = 14 : i64} {
  func.func @_moe_body(%arg0: i32, %arg1: memref<2x512x128xf32, #tpu.memory_space<vmem>>, %arg2: memref<512x128xf32, #tpu.memory_space<vmem>>, %arg3: memref<2x512x128xf32, #tpu.memory_space<vmem>>, %arg4: memref<256x128xf32, #tpu.memory_space<vmem>>, %arg5: memref<1x128xf32, #tpu.memory_space<vmem>>, %arg6: memref<8x256x256xf32, #tpu.memory_space<vmem>>, %arg7: memref<8x1x256xf32, #tpu.memory_space<vmem>>, %arg8: memref<256x256xf32, #tpu.memory_space<vmem>>, %arg9: memref<2x512x128xf32, #tpu.memory_space<vmem>>, %arg10: memref<1x1x128xf32, #tpu.memory_space<vmem>>) attributes {dimension_semantics = [#tpu.dimension_semantics<arbitrary>], iteration_bounds = array<i64: 20>, scalar_prefetch = 0 : i64, scratch_operands = 0 : i64, tpu.core_type = #tpu.core_type<tc>, window_params = [{transform_indices = @transform_0, window_bounds = array<i64: 2, 512, 128>}, {transform_indices = @transform_1, window_bounds = array<i64: 512, 128>}, {transform_indices = @transform_2, window_bounds = array<i64: 2, 512, 128>}, {pipeline_mode = #tpu.pipeline_mode<synchronous>, transform_indices = @transform_3, window_bounds = array<i64: 256, 128>}, {pipeline_mode = #tpu.pipeline_mode<synchronous>, transform_indices = @transform_4, window_bounds = array<i64: 1, 128>}, {pipeline_mode = #tpu.pipeline_mode<synchronous>, transform_indices = @transform_5, window_bounds = array<i64: 8, 256, 256>}, {pipeline_mode = #tpu.pipeline_mode<synchronous>, transform_indices = @transform_6, window_bounds = array<i64: 8, 1, 256>}, {pipeline_mode = #tpu.pipeline_mode<synchronous>, transform_indices = @transform_7, window_bounds = array<i64: 256, 256>}, {transform_indices = @transform_8, window_bounds = array<i64: 2, 512, 128>}, {transform_indices = @transform_9, window_bounds = array<i64: 1, 1, 128>}]} {
    %get3A = arith.constant 0 : index
    %get3A_0 = arith.constant 0 : index
    %get3A_1 = vector.load %arg2[%get3A, %get3A_0] : memref<512x128xf32, #tpu.memory_space<vmem>>, vector<512x1xf32>
    %max3A = arith.constant 1.000000e+00 : f32
    %max3A_2 = vector.broadcast %max3A : f32 to vector<512x1xf32>
    %max3A_3 = arith.maximumf %get3A_1, %max3A_2 : vector<512x1xf32>
    %div3A = arith.constant 1.000000e+00 : f32
    %div3A_4 = vector.broadcast %div3A : f32 to vector<512x1xf32>
    %div3A_5 = arith.divf %div3A_4, %max3A_3 : vector<512x1xf32>
    %get3A_6 = arith.constant 0 : index
    %get3A_7 = arith.constant 0 : index
    %get3A_8 = arith.constant 0 : index
    %get3A_9 = vector.load %arg1[%get3A_6, %get3A_7, %get3A_8] : memref<2x512x128xf32, #tpu.memory_space<vmem>>, vector<1x512x128xf32>
    %get3A_10 = vector.shape_cast %get3A_9 : vector<1x512x128xf32> to vector<512x128xf32>
    %get3A_11 = arith.constant 1 : index
    %get3A_12 = arith.constant 0 : index
    %get3A_13 = arith.constant 0 : index
    %get3A_14 = vector.load %arg1[%get3A_11, %get3A_12, %get3A_13] : memref<2x512x128xf32, #tpu.memory_space<vmem>>, vector<1x512x128xf32>
    %get3A_15 = vector.shape_cast %get3A_14 : vector<1x512x128xf32> to vector<512x128xf32>
    %concatenate3A = tpu.concatenate %get3A_10, %get3A_15 in 1 : vector<512x128xf32>, vector<512x128xf32> -> vector<512x256xf32>
    %mul3A = vector.broadcast %div3A_5 : vector<512x1xf32> to vector<512x256xf32>
    %mul3A_16 = arith.mulf %concatenate3A, %mul3A : vector<512x256xf32>
    %get3A_17 = arith.constant 0 : index
    %get3A_18 = arith.constant 0 : index
    %get3A_19 = vector.load %arg4[%get3A_17, %get3A_18] : memref<256x128xf32, #tpu.memory_space<vmem>>, vector<256x128xf32>
    %dot_general3A = arith.constant dense<0.000000e+00> : vector<512x128xf32>
    %dot_general3A_20 = tpu.matmul %mul3A_16, %get3A_19, %dot_general3A {dimension_numbers = #tpu.dot_dimension_numbers<[1], [0], [0], [1], [0, 0, 1, 1], [], []>, transpose_lhs_hint = false} : vector<512x256xf32>, vector<256x128xf32>, vector<512x128xf32> -> vector<512x128xf32>
    %get3A_21 = arith.constant 0 : index
    %get3A_22 = arith.constant 0 : index
    %get3A_23 = vector.load %arg5[%get3A_21, %get3A_22] : memref<1x128xf32, #tpu.memory_space<vmem>>, vector<1x128xf32>
    %add3A = vector.broadcast %get3A_23 : vector<1x128xf32> to vector<512x128xf32>
    %add3A_24 = arith.addf %dot_general3A_20, %add3A : vector<512x128xf32>
    %iota3A = tpu.iota {dimensions = array<i32: 1>} : vector<512x128xi32>
    %lt3A = arith.constant 8 : i32
    %lt3A_25 = vector.broadcast %lt3A : i32 to vector<512x128xi32>
    %lt3A_26 = arith.cmpi slt, %iota3A, %lt3A_25 : vector<512x128xi32>
    %jit3A = arith.constant -1.000000e+30 : f32
    %broadcast_in_dim3A = vector.broadcast %jit3A : f32 to vector<512x128xf32>
    %select_n3A = arith.select %lt3A_26, %add3A_24, %broadcast_in_dim3A : vector<512x128xi1>, vector<512x128xf32>
    %reduce_max3A = arith.constant dense<0xFF800000> : vector<512xf32>
    %reduce_max3A_27 = vector.multi_reduction <maximumf>, %select_n3A, %reduce_max3A [1] : vector<512x128xf32> to vector<512xf32>
    %broadcast_in_dim3A_28 = vector.shape_cast %reduce_max3A_27 : vector<512xf32> to vector<512x1xf32>
    %sub3A = vector.broadcast %broadcast_in_dim3A_28 : vector<512x1xf32> to vector<512x128xf32>
    %sub3A_29 = arith.subf %select_n3A, %sub3A : vector<512x128xf32>
    %exp3A = math.exp %sub3A_29 : vector<512x128xf32>
    %reduce_sum3A = arith.constant dense<0.000000e+00> : vector<512xf32>
    %reduce_sum3A_30 = vector.multi_reduction <add>, %exp3A, %reduce_sum3A [1] : vector<512x128xf32> to vector<512xf32>
    %broadcast_in_dim3A_31 = vector.shape_cast %reduce_sum3A_30 : vector<512xf32> to vector<512x1xf32>
    %div3A_32 = vector.broadcast %broadcast_in_dim3A_31 : vector<512x1xf32> to vector<512x128xf32>
    %div3A_33 = arith.divf %exp3A, %div3A_32 : vector<512x128xf32>
    %sub3A_34 = arith.constant 1.250000e-01 : f32
    %sub3A_35 = vector.broadcast %sub3A_34 : f32 to vector<512x128xf32>
    %sub3A_36 = arith.subf %div3A_33, %sub3A_35 : vector<512x128xf32>
    %jit3A_37 = arith.constant 0.000000e+00 : f32
    %broadcast_in_dim3A_38 = vector.broadcast %jit3A_37 : f32 to vector<512x128xf32>
    %select_n3A_39 = arith.select %lt3A_26, %sub3A_36, %broadcast_in_dim3A_38 : vector<512x128xi1>, vector<512x128xf32>
    %mul3A_40 = arith.mulf %select_n3A_39, %select_n3A_39 : vector<512x128xf32>
    %reduce_sum3A_41 = arith.constant dense<0.000000e+00> : vector<512xf32>
    %reduce_sum3A_42 = vector.multi_reduction <add>, %mul3A_40, %reduce_sum3A_41 [1] : vector<512x128xf32> to vector<512xf32>
    %broadcast_in_dim3A_43 = vector.shape_cast %reduce_sum3A_42 : vector<512xf32> to vector<512x1xf32>
    %mul3A_44 = arith.constant 0.142857149 : f32
    %mul3A_45 = vector.broadcast %mul3A_44 : f32 to vector<512x1xf32>
    %mul3A_46 = arith.mulf %broadcast_in_dim3A_43, %mul3A_45 : vector<512x1xf32>
    %sqrt3A = math.sqrt %mul3A_46 : vector<512x1xf32>
    %iota3A_47 = tpu.iota {dimensions = array<i32: 0>} : vector<512x1xi32>
    %mul3A_48 = arith.constant 512 : i32
    %mul3A_49 = arith.muli %arg0, %mul3A_48 : i32
    %add3A_50 = vector.broadcast %mul3A_49 : i32 to vector<512x1xi32>
    %add3A_51 = arith.addi %iota3A_47, %add3A_50 : vector<512x1xi32>
    %lt3A_52 = arith.constant 10000 : i32
    %lt3A_53 = vector.broadcast %lt3A_52 : i32 to vector<512x1xi32>
    %lt3A_54 = arith.cmpi slt, %add3A_51, %lt3A_53 : vector<512x1xi32>
    %jit3A_55 = arith.constant 0.000000e+00 : f32
    %broadcast_in_dim3A_56 = vector.broadcast %jit3A_55 : f32 to vector<512x1xf32>
    %select_n3A_57 = arith.select %lt3A_54, %sqrt3A, %broadcast_in_dim3A_56 : vector<512x1xi1>, vector<512x1xf32>
    %reduce_sum3A_58 = vector.shape_cast %select_n3A_57 : vector<512x1xf32> to vector<1x512x1xf32>
    %reduce_sum3A_59 = arith.constant dense<0.000000e+00> : vector<1xf32>
    %reduce_sum3A_60 = vector.multi_reduction <add>, %reduce_sum3A_58, %reduce_sum3A_59 [1, 2] : vector<1x512x1xf32> to vector<1xf32>
    %reduce_sum3A_61 = vector.shape_cast %reduce_sum3A_60 : vector<1xf32> to vector<1x1x1xf32>
    %reduce_sum3A_62 = vector.extract %reduce_sum3A_61[0, 0, 0] : f32 from vector<1x1x1xf32>
    %broadcast_in_dim3A_63 = vector.broadcast %reduce_sum3A_62 : f32 to vector<1x1x128xf32>
    %swap3A = arith.constant 0 : index
    %swap3A_64 = arith.constant 0 : index
    %swap3A_65 = arith.constant 0 : index
    %swap3A_66 = vector.load %arg10[%swap3A, %swap3A_64, %swap3A_65] : memref<1x1x128xf32, #tpu.memory_space<vmem>>, vector<1x1x128xf32>
    tpu.vector_store %arg10[%swap3A, %swap3A_64, %swap3A_65], %broadcast_in_dim3A_63 {strides = array<i32>} : memref<1x1x128xf32, #tpu.memory_space<vmem>>, vector<1x1x128xf32>,
    %ge3A = vector.broadcast %broadcast_in_dim3A_28 : vector<512x1xf32> to vector<512x128xf32>
    %ge3A_67 = arith.cmpf oge, %select_n3A, %ge3A : vector<512x128xf32>
    %and3A = arith.andi %ge3A_67, %lt3A_26 : vector<512x128xi1>
    %jit3A_68 = arith.constant 8 : i32
    %broadcast_in_dim3A_69 = vector.broadcast %jit3A_68 : i32 to vector<512x128xi32>
    %select_n3A_70 = arith.select %and3A, %iota3A, %broadcast_in_dim3A_69 : vector<512x128xi1>, vector<512x128xi32>
    %reduce_min3A = arith.constant dense<2147483647> : vector<512xi32>
    %reduce_min3A_71 = vector.multi_reduction <minsi>, %select_n3A_70, %reduce_min3A [1] : vector<512x128xi32> to vector<512xi32>
    %broadcast_in_dim3A_72 = vector.shape_cast %reduce_min3A_71 : vector<512xi32> to vector<512x1xi32>
    %get3A_73 = arith.constant 0 : index
    %get3A_74 = arith.constant 0 : index
    %get3A_75 = arith.constant 0 : index
    %get3A_76 = vector.load %arg3[%get3A_73, %get3A_74, %get3A_75] : memref<2x512x128xf32, #tpu.memory_space<vmem>>, vector<1x512x128xf32>
    %get3A_77 = vector.shape_cast %get3A_76 : vector<1x512x128xf32> to vector<512x128xf32>
    %get3A_78 = arith.constant 1 : index
    %get3A_79 = arith.constant 0 : index
    %get3A_80 = arith.constant 0 : index
    %get3A_81 = vector.load %arg3[%get3A_78, %get3A_79, %get3A_80] : memref<2x512x128xf32, #tpu.memory_space<vmem>>, vector<1x512x128xf32>
    %get3A_82 = vector.shape_cast %get3A_81 : vector<1x512x128xf32> to vector<512x128xf32>
    %concatenate3A_83 = tpu.concatenate %get3A_77, %get3A_82 in 1 : vector<512x128xf32>, vector<512x128xf32> -> vector<512x256xf32>
    %get3A_84 = arith.constant 0 : index
    %get3A_85 = arith.constant 0 : index
    %get3A_86 = vector.load %arg8[%get3A_84, %get3A_85] : memref<256x256xf32, #tpu.memory_space<vmem>>, vector<256x256xf32>
    %dot_general3A_87 = arith.constant dense<0.000000e+00> : vector<512x256xf32>
    %dot_general3A_88 = tpu.matmul %concatenate3A_83, %get3A_86, %dot_general3A_87 {dimension_numbers = #tpu.dot_dimension_numbers<[1], [0], [0], [1], [0, 0, 1, 1], [], []>, transpose_lhs_hint = false} : vector<512x256xf32>, vector<256x256xf32>, vector<512x256xf32> -> vector<512x256xf32>
    %eq3A = arith.constant 0 : i32
    %eq3A_89 = vector.broadcast %eq3A : i32 to vector<512x1xi32>
    %eq3A_90 = arith.cmpi eq, %broadcast_in_dim3A_72, %eq3A_89 : vector<512x1xi32>
    %convert_element_type3A = arith.extui %eq3A_90 : vector<512x1xi1> to vector<512x1xi32>
    %convert_element_type3A_91 = arith.sitofp %convert_element_type3A : vector<512x1xi32> to vector<512x1xf32>
    %get3A_92 = arith.constant 0 : index
    %get3A_93 = arith.constant 0 : index
    %get3A_94 = arith.constant 0 : index
    %get3A_95 = vector.load %arg6[%get3A_92, %get3A_93, %get3A_94] : memref<8x256x256xf32, #tpu.memory_space<vmem>>, vector<1x256x256xf32>
    %get3A_96 = vector.shape_cast %get3A_95 : vector<1x256x256xf32> to vector<256x256xf32>
    %dot_general3A_97 = arith.constant dense<0.000000e+00> : vector<512x256xf32>
    %dot_general3A_98 = tpu.matmul %mul3A_16, %get3A_96, %dot_general3A_97 {dimension_numbers = #tpu.dot_dimension_numbers<[1], [0], [0], [1], [0, 0, 1, 1], [], []>, transpose_lhs_hint = false} : vector<512x256xf32>, vector<256x256xf32>, vector<512x256xf32> -> vector<512x256xf32>
    %get3A_99 = arith.constant 0 : index
    %get3A_100 = arith.constant 0 : index
    %get3A_101 = arith.constant 0 : index
    %get3A_102 = vector.load %arg7[%get3A_99, %get3A_100, %get3A_101] : memref<8x1x256xf32, #tpu.memory_space<vmem>>, vector<1x1x256xf32>
    %get3A_103 = vector.shape_cast %get3A_102 : vector<1x1x256xf32> to vector<1x256xf32>
    %add3A_104 = vector.broadcast %get3A_103 : vector<1x256xf32> to vector<512x256xf32>
    %add3A_105 = arith.addf %dot_general3A_98, %add3A_104 : vector<512x256xf32>
    %mul3A_106 = vector.broadcast %convert_element_type3A_91 : vector<512x1xf32> to vector<512x256xf32>
    %mul3A_107 = arith.mulf %mul3A_106, %add3A_105 : vector<512x256xf32>
    %add3A_108 = arith.addf %dot_general3A_88, %mul3A_107 : vector<512x256xf32>
    %eq3A_109 = arith.constant 1 : i32
    %eq3A_110 = vector.broadcast %eq3A_109 : i32 to vector<512x1xi32>
    %eq3A_111 = arith.cmpi eq, %broadcast_in_dim3A_72, %eq3A_110 : vector<512x1xi32>
    %convert_element_type3A_112 = arith.extui %eq3A_111 : vector<512x1xi1> to vector<512x1xi32>
    %convert_element_type3A_113 = arith.sitofp %convert_element_type3A_112 : vector<512x1xi32> to vector<512x1xf32>
    %get3A_114 = arith.constant 1 : index
    %get3A_115 = arith.constant 0 : index
    %get3A_116 = arith.constant 0 : index
    %get3A_117 = vector.load %arg6[%get3A_114, %get3A_115, %get3A_116] : memref<8x256x256xf32, #tpu.memory_space<vmem>>, vector<1x256x256xf32>
    %get3A_118 = vector.shape_cast %get3A_117 : vector<1x256x256xf32> to vector<256x256xf32>
    %dot_general3A_119 = arith.constant dense<0.000000e+00> : vector<512x256xf32>
    %dot_general3A_120 = tpu.matmul %mul3A_16, %get3A_118, %dot_general3A_119 {dimension_numbers = #tpu.dot_dimension_numbers<[1], [0], [0], [1], [0, 0, 1, 1], [], []>, transpose_lhs_hint = false} : vector<512x256xf32>, vector<256x256xf32>, vector<512x256xf32> -> vector<512x256xf32>
    %get3A_121 = arith.constant 1 : index
    %get3A_122 = arith.constant 0 : index
    %get3A_123 = arith.constant 0 : index
    %get3A_124 = vector.load %arg7[%get3A_121, %get3A_122, %get3A_123] : memref<8x1x256xf32, #tpu.memory_space<vmem>>, vector<1x1x256xf32>
    %get3A_125 = vector.shape_cast %get3A_124 : vector<1x1x256xf32> to vector<1x256xf32>
    %add3A_126 = vector.broadcast %get3A_125 : vector<1x256xf32> to vector<512x256xf32>
    %add3A_127 = arith.addf %dot_general3A_120, %add3A_126 : vector<512x256xf32>
    %mul3A_128 = vector.broadcast %convert_element_type3A_113 : vector<512x1xf32> to vector<512x256xf32>
    %mul3A_129 = arith.mulf %mul3A_128, %add3A_127 : vector<512x256xf32>
    %add3A_130 = arith.addf %add3A_108, %mul3A_129 : vector<512x256xf32>
    %eq3A_131 = arith.constant 2 : i32
    %eq3A_132 = vector.broadcast %eq3A_131 : i32 to vector<512x1xi32>
    %eq3A_133 = arith.cmpi eq, %broadcast_in_dim3A_72, %eq3A_132 : vector<512x1xi32>
    %convert_element_type3A_134 = arith.extui %eq3A_133 : vector<512x1xi1> to vector<512x1xi32>
    %convert_element_type3A_135 = arith.sitofp %convert_element_type3A_134 : vector<512x1xi32> to vector<512x1xf32>
    %get3A_136 = arith.constant 2 : index
    %get3A_137 = arith.constant 0 : index
    %get3A_138 = arith.constant 0 : index
    %get3A_139 = vector.load %arg6[%get3A_136, %get3A_137, %get3A_138] : memref<8x256x256xf32, #tpu.memory_space<vmem>>, vector<1x256x256xf32>
    %get3A_140 = vector.shape_cast %get3A_139 : vector<1x256x256xf32> to vector<256x256xf32>
    %dot_general3A_141 = arith.constant dense<0.000000e+00> : vector<512x256xf32>
    %dot_general3A_142 = tpu.matmul %mul3A_16, %get3A_140, %dot_general3A_141 {dimension_numbers = #tpu.dot_dimension_numbers<[1], [0], [0], [1], [0, 0, 1, 1], [], []>, transpose_lhs_hint = false} : vector<512x256xf32>, vector<256x256xf32>, vector<512x256xf32> -> vector<512x256xf32>
    %get3A_143 = arith.constant 2 : index
    %get3A_144 = arith.constant 0 : index
    %get3A_145 = arith.constant 0 : index
    %get3A_146 = vector.load %arg7[%get3A_143, %get3A_144, %get3A_145] : memref<8x1x256xf32, #tpu.memory_space<vmem>>, vector<1x1x256xf32>
    %get3A_147 = vector.shape_cast %get3A_146 : vector<1x1x256xf32> to vector<1x256xf32>
    %add3A_148 = vector.broadcast %get3A_147 : vector<1x256xf32> to vector<512x256xf32>
    %add3A_149 = arith.addf %dot_general3A_142, %add3A_148 : vector<512x256xf32>
    %mul3A_150 = vector.broadcast %convert_element_type3A_135 : vector<512x1xf32> to vector<512x256xf32>
    %mul3A_151 = arith.mulf %mul3A_150, %add3A_149 : vector<512x256xf32>
    %add3A_152 = arith.addf %add3A_130, %mul3A_151 : vector<512x256xf32>
    %eq3A_153 = arith.constant 3 : i32
    %eq3A_154 = vector.broadcast %eq3A_153 : i32 to vector<512x1xi32>
    %eq3A_155 = arith.cmpi eq, %broadcast_in_dim3A_72, %eq3A_154 : vector<512x1xi32>
    %convert_element_type3A_156 = arith.extui %eq3A_155 : vector<512x1xi1> to vector<512x1xi32>
    %convert_element_type3A_157 = arith.sitofp %convert_element_type3A_156 : vector<512x1xi32> to vector<512x1xf32>
    %get3A_158 = arith.constant 3 : index
    %get3A_159 = arith.constant 0 : index
    %get3A_160 = arith.constant 0 : index
    %get3A_161 = vector.load %arg6[%get3A_158, %get3A_159, %get3A_160] : memref<8x256x256xf32, #tpu.memory_space<vmem>>, vector<1x256x256xf32>
    %get3A_162 = vector.shape_cast %get3A_161 : vector<1x256x256xf32> to vector<256x256xf32>
    %dot_general3A_163 = arith.constant dense<0.000000e+00> : vector<512x256xf32>
    %dot_general3A_164 = tpu.matmul %mul3A_16, %get3A_162, %dot_general3A_163 {dimension_numbers = #tpu.dot_dimension_numbers<[1], [0], [0], [1], [0, 0, 1, 1], [], []>, transpose_lhs_hint = false} : vector<512x256xf32>, vector<256x256xf32>, vector<512x256xf32> -> vector<512x256xf32>
    %get3A_165 = arith.constant 3 : index
    %get3A_166 = arith.constant 0 : index
    %get3A_167 = arith.constant 0 : index
    %get3A_168 = vector.load %arg7[%get3A_165, %get3A_166, %get3A_167] : memref<8x1x256xf32, #tpu.memory_space<vmem>>, vector<1x1x256xf32>
    %get3A_169 = vector.shape_cast %get3A_168 : vector<1x1x256xf32> to vector<1x256xf32>
    %add3A_170 = vector.broadcast %get3A_169 : vector<1x256xf32> to vector<512x256xf32>
    %add3A_171 = arith.addf %dot_general3A_164, %add3A_170 : vector<512x256xf32>
    %mul3A_172 = vector.broadcast %convert_element_type3A_157 : vector<512x1xf32> to vector<512x256xf32>
    %mul3A_173 = arith.mulf %mul3A_172, %add3A_171 : vector<512x256xf32>
    %add3A_174 = arith.addf %add3A_152, %mul3A_173 : vector<512x256xf32>
    %eq3A_175 = arith.constant 4 : i32
    %eq3A_176 = vector.broadcast %eq3A_175 : i32 to vector<512x1xi32>
    %eq3A_177 = arith.cmpi eq, %broadcast_in_dim3A_72, %eq3A_176 : vector<512x1xi32>
    %convert_element_type3A_178 = arith.extui %eq3A_177 : vector<512x1xi1> to vector<512x1xi32>
    %convert_element_type3A_179 = arith.sitofp %convert_element_type3A_178 : vector<512x1xi32> to vector<512x1xf32>
    %get3A_180 = arith.constant 4 : index
    %get3A_181 = arith.constant 0 : index
    %get3A_182 = arith.constant 0 : index
    %get3A_183 = vector.load %arg6[%get3A_180, %get3A_181, %get3A_182] : memref<8x256x256xf32, #tpu.memory_space<vmem>>, vector<1x256x256xf32>
    %get3A_184 = vector.shape_cast %get3A_183 : vector<1x256x256xf32> to vector<256x256xf32>
    %dot_general3A_185 = arith.constant dense<0.000000e+00> : vector<512x256xf32>
    %dot_general3A_186 = tpu.matmul %mul3A_16, %get3A_184, %dot_general3A_185 {dimension_numbers = #tpu.dot_dimension_numbers<[1], [0], [0], [1], [0, 0, 1, 1], [], []>, transpose_lhs_hint = false} : vector<512x256xf32>, vector<256x256xf32>, vector<512x256xf32> -> vector<512x256xf32>
    %get3A_187 = arith.constant 4 : index
    %get3A_188 = arith.constant 0 : index
    %get3A_189 = arith.constant 0 : index
    %get3A_190 = vector.load %arg7[%get3A_187, %get3A_188, %get3A_189] : memref<8x1x256xf32, #tpu.memory_space<vmem>>, vector<1x1x256xf32>
    %get3A_191 = vector.shape_cast %get3A_190 : vector<1x1x256xf32> to vector<1x256xf32>
    %add3A_192 = vector.broadcast %get3A_191 : vector<1x256xf32> to vector<512x256xf32>
    %add3A_193 = arith.addf %dot_general3A_186, %add3A_192 : vector<512x256xf32>
    %mul3A_194 = vector.broadcast %convert_element_type3A_179 : vector<512x1xf32> to vector<512x256xf32>
    %mul3A_195 = arith.mulf %mul3A_194, %add3A_193 : vector<512x256xf32>
    %add3A_196 = arith.addf %add3A_174, %mul3A_195 : vector<512x256xf32>
    %eq3A_197 = arith.constant 5 : i32
    %eq3A_198 = vector.broadcast %eq3A_197 : i32 to vector<512x1xi32>
    %eq3A_199 = arith.cmpi eq, %broadcast_in_dim3A_72, %eq3A_198 : vector<512x1xi32>
    %convert_element_type3A_200 = arith.extui %eq3A_199 : vector<512x1xi1> to vector<512x1xi32>
    %convert_element_type3A_201 = arith.sitofp %convert_element_type3A_200 : vector<512x1xi32> to vector<512x1xf32>
    %get3A_202 = arith.constant 5 : index
    %get3A_203 = arith.constant 0 : index
    %get3A_204 = arith.constant 0 : index
    %get3A_205 = vector.load %arg6[%get3A_202, %get3A_203, %get3A_204] : memref<8x256x256xf32, #tpu.memory_space<vmem>>, vector<1x256x256xf32>
    %get3A_206 = vector.shape_cast %get3A_205 : vector<1x256x256xf32> to vector<256x256xf32>
    %dot_general3A_207 = arith.constant dense<0.000000e+00> : vector<512x256xf32>
    %dot_general3A_208 = tpu.matmul %mul3A_16, %get3A_206, %dot_general3A_207 {dimension_numbers = #tpu.dot_dimension_numbers<[1], [0], [0], [1], [0, 0, 1, 1], [], []>, transpose_lhs_hint = false} : vector<512x256xf32>, vector<256x256xf32>, vector<512x256xf32> -> vector<512x256xf32>
    %get3A_209 = arith.constant 5 : index
    %get3A_210 = arith.constant 0 : index
    %get3A_211 = arith.constant 0 : index
    %get3A_212 = vector.load %arg7[%get3A_209, %get3A_210, %get3A_211] : memref<8x1x256xf32, #tpu.memory_space<vmem>>, vector<1x1x256xf32>
    %get3A_213 = vector.shape_cast %get3A_212 : vector<1x1x256xf32> to vector<1x256xf32>
    %add3A_214 = vector.broadcast %get3A_213 : vector<1x256xf32> to vector<512x256xf32>
    %add3A_215 = arith.addf %dot_general3A_208, %add3A_214 : vector<512x256xf32>
    %mul3A_216 = vector.broadcast %convert_element_type3A_201 : vector<512x1xf32> to vector<512x256xf32>
    %mul3A_217 = arith.mulf %mul3A_216, %add3A_215 : vector<512x256xf32>
    %add3A_218 = arith.addf %add3A_196, %mul3A_217 : vector<512x256xf32>
    %eq3A_219 = arith.constant 6 : i32
    %eq3A_220 = vector.broadcast %eq3A_219 : i32 to vector<512x1xi32>
    %eq3A_221 = arith.cmpi eq, %broadcast_in_dim3A_72, %eq3A_220 : vector<512x1xi32>
    %convert_element_type3A_222 = arith.extui %eq3A_221 : vector<512x1xi1> to vector<512x1xi32>
    %convert_element_type3A_223 = arith.sitofp %convert_element_type3A_222 : vector<512x1xi32> to vector<512x1xf32>
    %get3A_224 = arith.constant 6 : index
    %get3A_225 = arith.constant 0 : index
    %get3A_226 = arith.constant 0 : index
    %get3A_227 = vector.load %arg6[%get3A_224, %get3A_225, %get3A_226] : memref<8x256x256xf32, #tpu.memory_space<vmem>>, vector<1x256x256xf32>
    %get3A_228 = vector.shape_cast %get3A_227 : vector<1x256x256xf32> to vector<256x256xf32>
    %dot_general3A_229 = arith.constant dense<0.000000e+00> : vector<512x256xf32>
    %dot_general3A_230 = tpu.matmul %mul3A_16, %get3A_228, %dot_general3A_229 {dimension_numbers = #tpu.dot_dimension_numbers<[1], [0], [0], [1], [0, 0, 1, 1], [], []>, transpose_lhs_hint = false} : vector<512x256xf32>, vector<256x256xf32>, vector<512x256xf32> -> vector<512x256xf32>
    %get3A_231 = arith.constant 6 : index
    %get3A_232 = arith.constant 0 : index
    %get3A_233 = arith.constant 0 : index
    %get3A_234 = vector.load %arg7[%get3A_231, %get3A_232, %get3A_233] : memref<8x1x256xf32, #tpu.memory_space<vmem>>, vector<1x1x256xf32>
    %get3A_235 = vector.shape_cast %get3A_234 : vector<1x1x256xf32> to vector<1x256xf32>
    %add3A_236 = vector.broadcast %get3A_235 : vector<1x256xf32> to vector<512x256xf32>
    %add3A_237 = arith.addf %dot_general3A_230, %add3A_236 : vector<512x256xf32>
    %mul3A_238 = vector.broadcast %convert_element_type3A_223 : vector<512x1xf32> to vector<512x256xf32>
    %mul3A_239 = arith.mulf %mul3A_238, %add3A_237 : vector<512x256xf32>
    %add3A_240 = arith.addf %add3A_218, %mul3A_239 : vector<512x256xf32>
    %eq3A_241 = arith.constant 7 : i32
    %eq3A_242 = vector.broadcast %eq3A_241 : i32 to vector<512x1xi32>
    %eq3A_243 = arith.cmpi eq, %broadcast_in_dim3A_72, %eq3A_242 : vector<512x1xi32>
    %convert_element_type3A_244 = arith.extui %eq3A_243 : vector<512x1xi1> to vector<512x1xi32>
    %convert_element_type3A_245 = arith.sitofp %convert_element_type3A_244 : vector<512x1xi32> to vector<512x1xf32>
    %get3A_246 = arith.constant 7 : index
    %get3A_247 = arith.constant 0 : index
    %get3A_248 = arith.constant 0 : index
    %get3A_249 = vector.load %arg6[%get3A_246, %get3A_247, %get3A_248] : memref<8x256x256xf32, #tpu.memory_space<vmem>>, vector<1x256x256xf32>
    %get3A_250 = vector.shape_cast %get3A_249 : vector<1x256x256xf32> to vector<256x256xf32>
    %dot_general3A_251 = arith.constant dense<0.000000e+00> : vector<512x256xf32>
    %dot_general3A_252 = tpu.matmul %mul3A_16, %get3A_250, %dot_general3A_251 {dimension_numbers = #tpu.dot_dimension_numbers<[1], [0], [0], [1], [0, 0, 1, 1], [], []>, transpose_lhs_hint = false} : vector<512x256xf32>, vector<256x256xf32>, vector<512x256xf32> -> vector<512x256xf32>
    %get3A_253 = arith.constant 7 : index
    %get3A_254 = arith.constant 0 : index
    %get3A_255 = arith.constant 0 : index
    %get3A_256 = vector.load %arg7[%get3A_253, %get3A_254, %get3A_255] : memref<8x1x256xf32, #tpu.memory_space<vmem>>, vector<1x1x256xf32>
    %get3A_257 = vector.shape_cast %get3A_256 : vector<1x1x256xf32> to vector<1x256xf32>
    %add3A_258 = vector.broadcast %get3A_257 : vector<1x256xf32> to vector<512x256xf32>
    %add3A_259 = arith.addf %dot_general3A_252, %add3A_258 : vector<512x256xf32>
    %mul3A_260 = vector.broadcast %convert_element_type3A_245 : vector<512x1xf32> to vector<512x256xf32>
    %mul3A_261 = arith.mulf %mul3A_260, %add3A_259 : vector<512x256xf32>
    %add3A_262 = arith.addf %add3A_240, %mul3A_261 : vector<512x256xf32>
    %max3A_263 = arith.constant 0.000000e+00 : f32
    %max3A_264 = vector.broadcast %max3A_263 : f32 to vector<512x256xf32>
    %max3A_265 = arith.maximumf %add3A_262, %max3A_264 : vector<512x256xf32>
    %slice3A = vector.extract_strided_slice %max3A_265 {offsets = [0, 0], sizes = [512, 128], strides = [1, 1]} : vector<512x256xf32> to vector<512x128xf32>
    %swap3A_266 = arith.constant 0 : index
    %swap3A_267 = arith.constant 0 : index
    %swap3A_268 = arith.constant 0 : index
    %swap3A_269 = vector.load %arg9[%swap3A_266, %swap3A_267, %swap3A_268] : memref<2x512x128xf32, #tpu.memory_space<vmem>>, vector<1x512x128xf32>
    %swap3A_270 = vector.shape_cast %swap3A_269 : vector<1x512x128xf32> to vector<512x128xf32>
    %swap3A_271 = vector.shape_cast %slice3A : vector<512x128xf32> to vector<1x512x128xf32>
    tpu.vector_store %arg9[%swap3A_266, %swap3A_267, %swap3A_268], %swap3A_271 {strides = array<i32>} : memref<2x512x128xf32, #tpu.memory_space<vmem>>, vector<1x512x128xf32>,
    %slice3A_272 = vector.extract_strided_slice %max3A_265 {offsets = [0, 128], sizes = [512, 128], strides = [1, 1]} : vector<512x256xf32> to vector<512x128xf32>
    %swap3A_273 = arith.constant 1 : index
    %swap3A_274 = arith.constant 0 : index
    %swap3A_275 = arith.constant 0 : index
    %swap3A_276 = vector.load %arg9[%swap3A_273, %swap3A_274, %swap3A_275] : memref<2x512x128xf32, #tpu.memory_space<vmem>>, vector<1x512x128xf32>
    %swap3A_277 = vector.shape_cast %swap3A_276 : vector<1x512x128xf32> to vector<512x128xf32>
    %swap3A_278 = vector.shape_cast %slice3A_272 : vector<512x128xf32> to vector<1x512x128xf32>
    tpu.vector_store %arg9[%swap3A_273, %swap3A_274, %swap3A_275], %swap3A_278 {strides = array<i32>} : memref<2x512x128xf32, #tpu.memory_space<vmem>>, vector<1x512x128xf32>,
    return
  }
  func.func @transform_0(%arg0: i32) -> (i32, i32, i32) {
    %c0_i32 = arith.constant 0 : i32
    %c0_i32_0 = arith.constant 0 : i32
    %c0_i32_1 = arith.constant 0 : i32
    return %c0_i32, %arg0, %c0_i32_0 : i32, i32, i32
  }
  func.func @transform_1(%arg0: i32) -> (i32, i32) {
    %c0_i32 = arith.constant 0 : i32
    %c0_i32_0 = arith.constant 0 : i32
    return %arg0, %c0_i32 : i32, i32
  }
  func.func @transform_2(%arg0: i32) -> (i32, i32, i32) {
    %c0_i32 = arith.constant 0 : i32
    %c0_i32_0 = arith.constant 0 : i32
    %c0_i32_1 = arith.constant 0 : i32
    return %c0_i32, %arg0, %c0_i32_0 : i32, i32, i32
  }
  func.func @transform_3(%arg0: i32) -> (i32, i32) {
    %c0_i32 = arith.constant 0 : i32
    %c0_i32_0 = arith.constant 0 : i32
    %c0_i32_1 = arith.constant 0 : i32
    return %c0_i32, %c0_i32_0 : i32, i32
  }
  func.func @transform_4(%arg0: i32) -> (i32, i32) {
    %c0_i32 = arith.constant 0 : i32
    %c0_i32_0 = arith.constant 0 : i32
    %c0_i32_1 = arith.constant 0 : i32
    return %c0_i32, %c0_i32_0 : i32, i32
  }
  func.func @transform_5(%arg0: i32) -> (i32, i32, i32) {
    %c0_i32 = arith.constant 0 : i32
    %c0_i32_0 = arith.constant 0 : i32
    %c0_i32_1 = arith.constant 0 : i32
    %c0_i32_2 = arith.constant 0 : i32
    return %c0_i32, %c0_i32_0, %c0_i32_1 : i32, i32, i32
  }
  func.func @transform_6(%arg0: i32) -> (i32, i32, i32) {
    %c0_i32 = arith.constant 0 : i32
    %c0_i32_0 = arith.constant 0 : i32
    %c0_i32_1 = arith.constant 0 : i32
    %c0_i32_2 = arith.constant 0 : i32
    return %c0_i32, %c0_i32_0, %c0_i32_1 : i32, i32, i32
  }
  func.func @transform_7(%arg0: i32) -> (i32, i32) {
    %c0_i32 = arith.constant 0 : i32
    %c0_i32_0 = arith.constant 0 : i32
    %c0_i32_1 = arith.constant 0 : i32
    return %c0_i32, %c0_i32_0 : i32, i32
  }
  func.func @transform_8(%arg0: i32) -> (i32, i32, i32) {
    %c0_i32 = arith.constant 0 : i32
    %c0_i32_0 = arith.constant 0 : i32
    %c0_i32_1 = arith.constant 0 : i32
    return %c0_i32, %arg0, %c0_i32_0 : i32, i32, i32
  }
  func.func @transform_9(%arg0: i32) -> (i32, i32, i32) {
    %c0_i32 = arith.constant 0 : i32
    %c0_i32_0 = arith.constant 0 : i32
    %c0_i32_1 = arith.constant 0 : i32
    return %arg0, %c0_i32, %c0_i32_0 : i32, i32, i32
  }
}

module attributes {stable_mosaic.version = 14 : i64} {
  func.func @_fin_body(%arg0: i32, %arg1: memref<2x512x128xf32, #tpu.memory_space<vmem>>, %arg2: memref<512x128xf32, #tpu.memory_space<vmem>>, %arg3: memref<2x512x128xf32, #tpu.memory_space<vmem>>, %arg4: memref<256x128xf32, #tpu.memory_space<vmem>>, %arg5: memref<1x128xf32, #tpu.memory_space<vmem>>, %arg6: memref<256x128xf32, #tpu.memory_space<vmem>>, %arg7: memref<512x128xf32, #tpu.memory_space<vmem>>) attributes {dimension_semantics = [#tpu.dimension_semantics<arbitrary>], iteration_bounds = array<i64: 20>, scalar_prefetch = 0 : i64, scratch_operands = 0 : i64, tpu.core_type = #tpu.core_type<tc>, window_params = [{transform_indices = @transform_0, window_bounds = array<i64: 2, 512, 128>}, {transform_indices = @transform_1, window_bounds = array<i64: 512, 128>}, {transform_indices = @transform_2, window_bounds = array<i64: 2, 512, 128>}, {pipeline_mode = #tpu.pipeline_mode<synchronous>, transform_indices = @transform_3, window_bounds = array<i64: 256, 128>}, {pipeline_mode = #tpu.pipeline_mode<synchronous>, transform_indices = @transform_4, window_bounds = array<i64: 1, 128>}, {pipeline_mode = #tpu.pipeline_mode<synchronous>, transform_indices = @transform_5, window_bounds = array<i64: 256, 128>}, {transform_indices = @transform_6, window_bounds = array<i64: 512, 128>}]} {
    %get3A = arith.constant 0 : index
    %get3A_0 = arith.constant 0 : index
    %get3A_1 = vector.load %arg2[%get3A, %get3A_0] : memref<512x128xf32, #tpu.memory_space<vmem>>, vector<512x1xf32>
    %max3A = arith.constant 1.000000e+00 : f32
    %max3A_2 = vector.broadcast %max3A : f32 to vector<512x1xf32>
    %max3A_3 = arith.maximumf %get3A_1, %max3A_2 : vector<512x1xf32>
    %div3A = arith.constant 1.000000e+00 : f32
    %div3A_4 = vector.broadcast %div3A : f32 to vector<512x1xf32>
    %div3A_5 = arith.divf %div3A_4, %max3A_3 : vector<512x1xf32>
    %get3A_6 = arith.constant 0 : index
    %get3A_7 = arith.constant 0 : index
    %get3A_8 = arith.constant 0 : index
    %get3A_9 = vector.load %arg1[%get3A_6, %get3A_7, %get3A_8] : memref<2x512x128xf32, #tpu.memory_space<vmem>>, vector<1x512x128xf32>
    %get3A_10 = vector.shape_cast %get3A_9 : vector<1x512x128xf32> to vector<512x128xf32>
    %get3A_11 = arith.constant 1 : index
    %get3A_12 = arith.constant 0 : index
    %get3A_13 = arith.constant 0 : index
    %get3A_14 = vector.load %arg1[%get3A_11, %get3A_12, %get3A_13] : memref<2x512x128xf32, #tpu.memory_space<vmem>>, vector<1x512x128xf32>
    %get3A_15 = vector.shape_cast %get3A_14 : vector<1x512x128xf32> to vector<512x128xf32>
    %concatenate3A = tpu.concatenate %get3A_10, %get3A_15 in 1 : vector<512x128xf32>, vector<512x128xf32> -> vector<512x256xf32>
    %mul3A = vector.broadcast %div3A_5 : vector<512x1xf32> to vector<512x256xf32>
    %mul3A_16 = arith.mulf %concatenate3A, %mul3A : vector<512x256xf32>
    %get3A_17 = arith.constant 0 : index
    %get3A_18 = arith.constant 0 : index
    %get3A_19 = arith.constant 0 : index
    %get3A_20 = vector.load %arg3[%get3A_17, %get3A_18, %get3A_19] : memref<2x512x128xf32, #tpu.memory_space<vmem>>, vector<1x512x128xf32>
    %get3A_21 = vector.shape_cast %get3A_20 : vector<1x512x128xf32> to vector<512x128xf32>
    %get3A_22 = arith.constant 1 : index
    %get3A_23 = arith.constant 0 : index
    %get3A_24 = arith.constant 0 : index
    %get3A_25 = vector.load %arg3[%get3A_22, %get3A_23, %get3A_24] : memref<2x512x128xf32, #tpu.memory_space<vmem>>, vector<1x512x128xf32>
    %get3A_26 = vector.shape_cast %get3A_25 : vector<1x512x128xf32> to vector<512x128xf32>
    %concatenate3A_27 = tpu.concatenate %get3A_21, %get3A_26 in 1 : vector<512x128xf32>, vector<512x128xf32> -> vector<512x256xf32>
    %get3A_28 = arith.constant 0 : index
    %get3A_29 = arith.constant 0 : index
    %get3A_30 = vector.load %arg4[%get3A_28, %get3A_29] : memref<256x128xf32, #tpu.memory_space<vmem>>, vector<256x128xf32>
    %dot_general3A = arith.constant dense<0.000000e+00> : vector<512x128xf32>
    %dot_general3A_31 = tpu.matmul %mul3A_16, %get3A_30, %dot_general3A {dimension_numbers = #tpu.dot_dimension_numbers<[1], [0], [0], [1], [0, 0, 1, 1], [], []>, transpose_lhs_hint = false} : vector<512x256xf32>, vector<256x128xf32>, vector<512x128xf32> -> vector<512x128xf32>
    %get3A_32 = arith.constant 0 : index
    %get3A_33 = arith.constant 0 : index
    %get3A_34 = vector.load %arg5[%get3A_32, %get3A_33] : memref<1x128xf32, #tpu.memory_space<vmem>>, vector<1x128xf32>
    %add3A = vector.broadcast %get3A_34 : vector<1x128xf32> to vector<512x128xf32>
    %add3A_35 = arith.addf %dot_general3A_31, %add3A : vector<512x128xf32>
    %get3A_36 = arith.constant 0 : index
    %get3A_37 = arith.constant 0 : index
    %get3A_38 = vector.load %arg6[%get3A_36, %get3A_37] : memref<256x128xf32, #tpu.memory_space<vmem>>, vector<256x128xf32>
    %dot_general3A_39 = arith.constant dense<0.000000e+00> : vector<512x128xf32>
    %dot_general3A_40 = tpu.matmul %concatenate3A_27, %get3A_38, %dot_general3A_39 {dimension_numbers = #tpu.dot_dimension_numbers<[1], [0], [0], [1], [0, 0, 1, 1], [], []>, transpose_lhs_hint = false} : vector<512x256xf32>, vector<256x128xf32>, vector<512x128xf32> -> vector<512x128xf32>
    %add3A_41 = arith.addf %add3A_35, %dot_general3A_40 : vector<512x128xf32>
    %swap3A = arith.constant 0 : index
    %swap3A_42 = arith.constant 0 : index
    %swap3A_43 = vector.load %arg7[%swap3A, %swap3A_42] : memref<512x128xf32, #tpu.memory_space<vmem>>, vector<512x128xf32>
    tpu.vector_store %arg7[%swap3A, %swap3A_42], %add3A_41 {strides = array<i32>} : memref<512x128xf32, #tpu.memory_space<vmem>>, vector<512x128xf32>,
    return
  }
  func.func @transform_0(%arg0: i32) -> (i32, i32, i32) {
    %c0_i32 = arith.constant 0 : i32
    %c0_i32_0 = arith.constant 0 : i32
    %c0_i32_1 = arith.constant 0 : i32
    return %c0_i32, %arg0, %c0_i32_0 : i32, i32, i32
  }
  func.func @transform_1(%arg0: i32) -> (i32, i32) {
    %c0_i32 = arith.constant 0 : i32
    %c0_i32_0 = arith.constant 0 : i32
    return %arg0, %c0_i32 : i32, i32
  }
  func.func @transform_2(%arg0: i32) -> (i32, i32, i32) {
    %c0_i32 = arith.constant 0 : i32
    %c0_i32_0 = arith.constant 0 : i32
    %c0_i32_1 = arith.constant 0 : i32
    return %c0_i32, %arg0, %c0_i32_0 : i32, i32, i32
  }
  func.func @transform_3(%arg0: i32) -> (i32, i32) {
    %c0_i32 = arith.constant 0 : i32
    %c0_i32_0 = arith.constant 0 : i32
    %c0_i32_1 = arith.constant 0 : i32
    return %c0_i32, %c0_i32_0 : i32, i32
  }
  func.func @transform_4(%arg0: i32) -> (i32, i32) {
    %c0_i32 = arith.constant 0 : i32
    %c0_i32_0 = arith.constant 0 : i32
    %c0_i32_1 = arith.constant 0 : i32
    return %c0_i32, %c0_i32_0 : i32, i32
  }
  func.func @transform_5(%arg0: i32) -> (i32, i32) {
    %c0_i32 = arith.constant 0 : i32
    %c0_i32_0 = arith.constant 0 : i32
    %c0_i32_1 = arith.constant 0 : i32
    return %c0_i32, %c0_i32_0 : i32, i32
  }
  func.func @transform_6(%arg0: i32) -> (i32, i32) {
    %c0_i32 = arith.constant 0 : i32
    %c0_i32_0 = arith.constant 0 : i32
    return %arg0, %c0_i32 : i32, i32
  }
}

</mosaic_0001>

<sc_bundles>
// kernel: kernel.12.cloned.1.call-start
scs
__scs_entry_jumppad:
0x0: {  	(pc) =	sbr.rel $0x88, $3  }
0x1: {  	(tag) =	ssettag $0x0;
	lr =	simm.s32 $0x1  }
0x2: {  	[smem:$0x3F92] =	sst lr;
	_ =	strace $0xD0000000  }
0x3: {  	_ = 	snop  }
0x4: {  	_ = 	snop  }
0x5: {  	_ = 	snop  }
0x6: {  	_ = 	snop  }
0x7: {  	_ = 	snop  }
__scs_overlays_trampoline_lowered:
0x8: {  	[smem:$0x3FA1] =	sst s0  }
0x9: {  	[smem:$0x3FA2] =	sst s1  }
0xa: {  	[smem:$0x3FA3] =	sst s2  }
0xb: {  	[smem:$0x3FA4] =	sst s3  }
0xc: {  	[smem:$0x3FA5] =	sst s4  }
0xd: {  	[smem:$0x3FA6] =	sst s5  }
0xe: {  	[smem:$0x3FA7] =	sst s6  }
0xf: {  	[smem:$0x3FA8] =	sst s7  }
0x10: {  	[smem:$0x3FA9] =	sst s8  }
0x11: {  	[smem:$0x3FAA] =	sst s9;
	s0 =	simm.s32 @!p0 $0x0  }
0x12: {  	s1 =	sld [smem:$0x3F90];
	s0 =	simm.s32 @p0 $0x1  }
0x13: {  	[smem:$0x3FAB] =	sst s0;
	s0 =	simm.s32 @!p1 $0x0  }
0x14: {  	s2 =	sld [smem:$0x3F8F];
	s0 =	simm.s32 @p1 $0x1  }
0x15: {  	[smem:$0x3FAC] =	sst s0;
	s0 =	simm.s32 @!p2 $0x0  }
0x16: {  	s3 =	sld [smem:$0x3FDB];
	s0 =	simm.s32 @p2 $0x1  }
0x17: {  	s4 =	simm.s32 $0x1BF5;
	[smem:$0x3FAE] =	sst s0  }
0x18: {  	s0 =	sld [smem:$0x3F91];
	_ =	swait.ge [sflag:s4], $0x0  }
0x19: {  	s7 =	sld [smem:$0x3F92]  }
0x1a: {  	s8 =	sadd.s32 $0xFFFFE003, lr  }
0x1b: {  	s9 =	sadd.s32 $0xFFFFFEF7, lr;
	s5 =	simm.s32 $0xFFFFFFFF;
	p2 =	slt.u32 s8, $0xFFFFF086  }
0x1c: {  	p1 =	slt.u32 s9, $0xF7A;
	s5 =	simm.s32 @!p2 $0x0  }
0x1d: {  	s5 =	simm.s32 @p1 $0x1;
	p0 =	seq.s32 s7, s2  }
0x1e: {  	s7 =	smul.u32 @!p0 $0xF7A, s2;
	p2 =	seq.s32 @!p0 s5, $0x0  }
0x1f: {  	s9 =	smul.u32 $0xF7A, s1;
	s8 =	simm.s32 @!p0 $0x1BF5;
	p2 =	por !p2, p0  }
0x20: {  	[sflag:s8] =	ssyncset.s32 @!p0 $0xFFFFF086;
	s6 =	sadd.s32 @!p0 s3, s7;
	s7 =	simm.s32 @!p0 $0x108  }
0x21: {  	s3 =	sadd.s32 s3, s9;
	s6 =	sadd.s32 @!p0 $0x88, s6;
	s7 =	simm.s32 @p2 $0x1082  }
0x22: {  	[simem:s7], [sflag:s8] =	dma.local @!p0 [hbm:s6], $0xF7A  }
0x23: {  	s9 =	sor.u32 $0xD0000000, s2;
	s6 =	simm.s32 $0x108;
	_ =	swait.ge @!p0 [sflag:s8], $0x0  }
0x24: {  	s3 =	sadd.s32 $0x88, s3;
	s6 =	simm.s32 @!p1 $0x1082;
	[sflag:s4] =	ssyncset.s32 $0xFFFFF086  }
0x25: {  	[simem:s6], [sflag:s4] =	dma.local [hbm:s3], $0xF7A  }
0x26: {  	[smem:$0x3F92] =	sst s1;
	(tag) =	ssettag s2;
	_ =	strace s9  }
0x27: {  	s1 =	sld [smem:$0x3FA2]  }
0x28: {  	s2 =	sld [smem:$0x3FA3]  }
0x29: {  	s4 =	sld [smem:$0x3FA5]  }
0x2a: {  	p0 =	seq.s32 s5, $0x0;
	s5 =	sld [smem:$0x3FA6]  }
0x2b: {  	s6 =	sld [smem:$0x3FA7]  }
0x2c: {  	s7 =	sld [smem:$0x3FA8]  }
0x2d: {  	s3 =	simm.s32 $0x108;
	s8 =	sld [smem:$0x3FA9]  }
0x2e: {  	s3 =	simm.s32 @!p0 $0x1082;
	s9 =	sld [smem:$0x3FAA]  }
0x2f: {  	lr =	sadd.s32 s0, s3;
	s0 =	sld [smem:$0x3FA1]  }
0x30: {  	s3 =	sld [smem:$0x3FA4]  }
0x31: {  	[smem:$0x3FAD] =	sst s10  }
0x32: {  	s10 =	sld [smem:$0x3FAB];
	_ =	sdelay $0x3  }
0x33: {  	p0 =	seq.s32 s10, $0x1;
	s10 =	sld [smem:$0x3FAD];
	_ =	sdelay $0x3  }
0x34: {  	[smem:$0x3FAD] =	sst s10  }
0x35: {  	s10 =	sld [smem:$0x3FAC];
	_ =	sdelay $0x3  }
0x36: {  	p1 =	seq.s32 s10, $0x1;
	s10 =	sld [smem:$0x3FAD];
	_ =	sdelay $0x3  }
0x37: {  	[smem:$0x3FAD] =	sst s10  }
0x38: {  	s10 =	sld [smem:$0x3FAE]  }
0x39: {  	_ = 	snop;
	(pc) =	sbr.ind lr, $3  }
0x3a: {  	_ = 	snop  }
0x3b: {  	_ = 	snop  }
0x3c: {  	p2 =	seq.s32 s10, $0x1;
	s10 =	sld [smem:$0x3FAD]  }
0x3d: {  	_ =	shalt  }
0x3e: {  	_ =	shalt  }
0x3f: {  	_ =	shalt  }
0x40: {  	_ =	shalt  }
0x41: {  	_ =	shalt  }
0x42: {  	_ =	shalt  }
0x43: {  	_ =	shalt  }
0x44: {  	_ =	shalt  }
0x45: {  	_ =	shalt  }
0x46: {  	_ =	shalt  }
0x47: {  	_ =	shalt  }
0x48: {  	_ =	shalt  }
0x49: {  	_ =	shalt  }
0x4a: {  	_ =	shalt  }
0x4b: {  	_ =	shalt  }
0x4c: {  	_ =	shalt  }
0x4d: {  	_ =	shalt  }
0x4e: {  	_ =	shalt  }
0x4f: {  	_ =	shalt  }
0x50: {  	_ =	shalt  }
0x51: {  	_ =	shalt  }
0x52: {  	_ =	shalt  }
0x53: {  	_ =	shalt  }
0x54: {  	_ =	shalt  }
0x55: {  	_ =	shalt  }
0x56: {  	_ =	shalt  }
0x57: {  	_ =	shalt  }
0x58: {  	_ =	shalt  }
0x59: {  	_ =	shalt  }
0x5a: {  	_ =	shalt  }
0x5b: {  	_ =	shalt  }
0x5c: {  	_ =	shalt  }
0x5d: {  	_ =	shalt  }
0x5e: {  	_ =	shalt  }
0x5f: {  	_ =	shalt  }
0x60: {  	_ =	shalt  }
0x61: {  	_ =	shalt  }
0x62: {  	_ =	shalt  }
0x63: {  	_ =	shalt  }
0x64: {  	_ =	shalt  }
0x65: {  	_ =	shalt  }
0x66: {  	_ =	shalt  }
0x67: {  	_ =	shalt  }
0x68: {  	_ =	shalt  }
0x69: {  	_ =	shalt  }
0x6a: {  	_ =	shalt  }
0x6b: {  	_ =	shalt  }
0x6c: {  	_ =	shalt  }
0x6d: {  	_ =	shalt  }
0x6e: {  	_ =	shalt  }
0x6f: {  	_ =	shalt  }
0x70: {  	_ =	shalt  }
0x71: {  	_ =	shalt  }
0x72: {  	_ =	shalt  }
0x73: {  	_ =	shalt  }
0x74: {  	_ =	shalt  }
0x75: {  	_ =	shalt  }
0x76: {  	_ =	shalt  }
0x77: {  	_ =	shalt  }
0x78: {  	_ =	shalt  }
0x79: {  	_ =	shalt  }
0x7a: {  	_ =	shalt  }
0x7b: {  	_ =	shalt  }
0x7c: {  	_ =	shalt  }
0x7d: {  	_ =	shalt  }
0x7e: {  	_ =	shalt  }
0x7f: {  	_ =	shalt  }
0x80: {  	_ =	shalt  }
0x81: {  	_ =	shalt  }
0x82: {  	_ =	shalt  }
0x83: {  	_ =	shalt  }
0x84: {  	_ =	shalt  }
0x85: {  	_ =	shalt  }
0x86: {  	_ =	shalt  }
0x87: {  	_ =	shalt  }
.Lfunc_end0:
.L_simem_size_0:
called_computation.1_lowered:
.L_overlay_start_0:
0x88: {  	s2 =	sld [smem:$0x3FD9]  }
0x89: {  	s3 =	sld [smem:$0x3FFE];
	_ =	sdelay $0x1  }
0x8a: {  	s1 =	srdreg.scid  }
0x8b: {  	s0 =	sand.u32 $0x1, s1  }
0x8c: {  	s14 =	sshll.u32 s0, $0xA;
	s2 =	sadd.s32 s3, s2  }
0x8d: {  	s2 =	sadd.s32 s2, s14  }
0x8e: {  	[smem:$0x3FB9] =	sst s2  }
0x8f: {  	_ = 	snop  }
0x90: {  	s2 =	sld [smem:$0x3FD0];
	_ =	sdelay $0x2  }
0x91: {  	s15 =	simm.s32 $0xB;
	s4 =	simm.s32 $0x10  }
0x92: {  	[smem:s4], [sflag:s15] =	dma.local [hbm:s2], $0x1  }
0x93: {  	_ =	swait.eq [sflag:s15], $0x1  }
0x94: {  	[sflag:s15] =	ssyncset.done $0x0  }
0x95: {  	[sflag:s15] =	ssyncadd.s32 $0xFFFFFFFF  }
0x96: {  	s16 =	sld [smem:$0x10];
	(tm) =	ssettm $0x1  }
0x97: {  	s17 =	sld [smem:$0x3FFB];
	_ =	sdelay $0x3  }
0x98: {  	_ =	strace s17  }
0x99: {  	s3 =	sld [smem:$0x3FFC];
	_ =	sdelay $0x3  }
0x9a: {  	_ =	strace s3  }
0x9b: {  	s3 =	sld [smem:$0x3FFD];
	_ =	sdelay $0x3  }
0x9c: {  	_ =	strace s3  }
0x9d: {  	_ =	strace $0x8FFFFFFF  }
0x9e: {  	s18 =	sld [smem:$0x3FDB];
	_ =	sdelay $0x1  }
0x9f: {  	s19 =	simm.s32 $_scs_section_size  }
0xa0: {  	s5 =	simm.s32 $_size__tile_overlayer_lowered;
	s6 =	simm.s32 $_tile_overlayer_lowered  }
0xa1: {  	s22 =	simm.s32 $0x1BFF;
	s21 =	sshll.u32 s6, $0x1;
	s3 =	sadd.s32 s19, s18  }
0xa2: {  	s7 =	simm.s32 $0x0;
	s20 =	sshll.u32 s5, $0x1;
	s5 =	sadd.s32 s21, s3  }
0xa3: {  	[timem:s7], [sflag:s22] =	dma.local [hbm:s5], s20  }
0xa4: {  	_ =	swait.ge [sflag:s22], s20  }
0xa5: {  	s4 =	ssub.s32 $0x0, s20;
	[sflag:s22] =	ssyncset.done $0x0  }
0xa6: {  	[sflag:s22] =	ssyncadd.s32 s4;
	_ =	sdelay $0x1  }
0xa7: {  	s23 =	simm.s32 $0x1B8B  }
0xa8: {  	_ =	swait.ge [sflag:s23], $0x1  }
0xa9: {  	[sflag:s23] =	ssyncset.done $0x0  }
0xaa: {  	s25 =	simm.s32 $0x1B8E;
	s24 =	sld [smem:$0x3FFE];
	[sflag:s23] =	ssyncadd.s32 $0xFFFFFFFF  }
0xab: {  	s26 =	simm.s32 $execute0_lowered;
	[smem:$0x3FD2] =	sst s25  }
0xac: {  	s5 =	sshll.u32 s26, $0x1;
	_ =	strace $0x80000046;
	[dreg:$0x1] =	wrdreg $0xFFFFFFFF  }
0xad: {  	s28 =	simm.s32 $_size_execute0_lowered;
	s3 =	sadd.s32 s3, s5;
	[dreg:$0x0] =	wrdreg $0x0  }
0xae: {  	s5 =	sshll.u32 s28, $0x1;
	[dreg:$0x2] =	wrdreg s3  }
0xaf: {  	[dreg:$0x3] =	wrdreg s5  }
0xb0: {  	[dreg:$0x4] =	wrdreg $0xC0  }
0xb1: {  	_ =	task [dreg:s7], $0x5FFFF  }
0xb2: {  	[dreg:$0x1] =	wrdreg $0xFFFFFFFF  }
0xb3: {  	[dreg:$0x0] =	wrdreg $0x60  }
0xb4: {  	[dreg:$0x2] =	wrdreg s24  }
0xb5: {  	[dreg:$0x3] =	wrdreg s16  }
0xb6: {  	[dreg:$0x4] =	wrdreg $0x90000  }
0xb7: {  	[dreg:$0x5] =	wrdreg $0xA  }
0xb8: {  	_ =	task.clear_ibuf [dreg:s7], $0x6FFFF;
	_ =	strace $0x90000046  }
0xb9: {  	s29 =	simm.s32 $0xA;
	_ =	strace $0x80000048  }
0xba: {  	_ =	swait.ge [sflag:s29], $0x1  }
0xbb: {  	[sflag:s29] =	ssyncadd.s32 $0xFFFFFFFF  }
0xbc: {  	_ =	strace $0x90000048  }
0xbd: {  	_ =	sfence  }
0xbe: {  	s30 =	sld [smem:$0x0];
	_ =	sdelay $0x2  }
0xbf: {  	s31 =	sshll.u32 s1, $0xD;
	s1 =	sshrl.u32 s1, $0x2  }
0xc0: {  	s3 =	sand.u32 $0x4000, s31;
	s1 =	sadd.s32 s1, s30  }
0xc1: {  	s0 =	sor.u32 s3, s0;
	s1 =	sshll.u32 s1, $0x11  }
0xc2: {  	s0 =	sor.u32 s1, s0  }
0xc3: {  	s0 =	sadd.s32 $0x8F2B, s0  }
0xc4: {  	[sflag:s0] =	ssyncadd.remote.s32 $0x1  }
0xc5: {  	_ =	sfence.sel $0xFFFF  }
0xc6: {  	[dreg:$0x0] =	wrdreg $0xFFFFFFFF;
	(pc) =	sbr.abs _section_cstart, $3  }
0xc7: {  	[dreg:$0x1] =	wrdreg $0xFFFFFFFF  }
0xc8: {  	_ =	task.clear_ibuf [dreg:s7], $0x2FFFF;
	_ =	strace $0x9FFFFFFF  }
0xc9: {  	(tm) =	ssettm $0x7FFFFFFF  }
tec
execute0_lowered:
.L_overlay_start_1:
0x0: {  	(tag) =	ssettag $0x1  }
0x1: {  	s5 =	rddreg [dreg:$0x0]  }
0x2: {  	s6 =	rddreg [dreg:$0x1]  }
0x3: {  	s2 =	rddreg [dreg:$0x2]  }
0x4: {  	s0 =	rddreg [dreg:$0x3]  }
0x5: {  	s1 =	stileid.u32;
	s4 =	srdreg.scid;
	s3 =	simm.s32 $0x0  }
0x6: {  	s13 =	simm.s32 $0x80;
	s14 =	simm.s32 $0x5000;
	s7 =	smul.u32 $0x500, s1  }
0x7: {  	s15 =	simm.s32 $0x1;
	s8 =	sand.u32 $0x1, s4;
	s10 =	smul.u32 $0x50000, s1  }
0x8: {  	[smem:$0x7FF] =	sst s3;
	s4 =	sadd.s32 $0x57200, s5;
	s17 =	smul.u32 $0x2800, s1  }
0x9: {  	s31 =	sshll.u32 s1, $0x6;
	s9 =	smul.u32 $0x28000, s8;
	s8 =	ssub.s32 $0x2, s8  }
0xa: {  	_ =	strace $0x80000047;
	s11 =	sadd.s32 s7, s5;
	s30 =	sshrl.u32 s8, $0x1  }
0xb: {  	s10 =	sshrl.u32 s10, $0x2;
	s6 =	sadd.s32 s6, s7;
	s9 =	sadd.s32 s9, s5  }
0xc: {  	s12 =	ssub.s32 s8, s30;
	s10 =	sadd.s32 s10, s2;
	s5 =	sor.u32 $0x1C02, s31  }
0xd: {  	s7 =	sadd.s32 $0x2200, s11;
	s11 =	simm.s32 $0x2;
	s8 =	sadd.s32 $0x7200, s9  }
0xe: {  	s16 =	sadd.s32 $0x59A00, s9;
	s9 =	smax.u32 s12, $0x1;
	s10 =	sshrl.u32 s10, $0x3  }
0xf: {  	s12 =	simm.s32 $0x2800;
	s16 =	sadd.s32 s17, s16;
	s17 =	simm.s32 $0x0  }
.LBB2_1:
0x10: {  	[spmem:s10], [sflag:s5] =	dma.local [hbm:s4], $0x2800  }
0x11: {  	_ =	swait.ge [sflag:s11], $0x2800  }
0x12: {  	[sflag:s11] =	ssyncset.done $0x0  }
0x13: {  	[sflag:s11] =	ssyncadd.s32 $0xFFFFD800  }
0x14: {  	[tilespmem:s3], [sflag:$0x2] =	stream.linear.gather [hbm4b:s6+s3], $0x2800, $0x38;
	[tilespmem:$0x1D000] =	vst v63  }
0x15: {  	_ =	swait.ge [sflag:s11], $0x2800  }
0x16: {  	[sflag:s11] =	ssyncset.done $0x0  }
0x17: {  	[sflag:s11] =	ssyncadd.s32 $0xFFFFD800  }
0x18: {  	[tilespmem:s12], [sflag:$0x2] =	stream.linear.gather [hbm4b:s7+s3], $0x2800, $0x38;
	[tilespmem:$0x1D000] =	vst v63  }
0x19: {  	_ =	swait.ge [sflag:s11], $0x2800  }
0x1a: {  	[sflag:s11] =	ssyncset.done $0x0  }
0x1b: {  	[sflag:s11] =	ssyncadd.s32 $0xFFFFD800  }
0x1c: {  	s18 =	simm.s32 $0x0;
	[bflag:$0x0] =	sbarrier.arrive $0xFFFF  }
0x1d: {  	[tilespmem:s14], [sflag:$0x1] =	stream.indirect.gather [hbm4b:s8+s13], $0x80, s18, s13, $0xb8;
	[tilespmem:$0x1D000] =	vst v63  }
0x1e: {  	_ =	swait.ge [sflag:s15], $0x4000  }
0x1f: {  	[sflag:s15] =	ssyncset.done $0x0  }
0x20: {  	s31 =	simm.s32 $0x2800;
	[sflag:s15] =	ssyncadd.s32 $0xFFFFC000  }
0x21: {  	[spmem:s2] =	stream.indirect.scatter.add.f32 [tilespmem:s14], [sflag:$0x2], $0x80, s31, s13, $0xb8;
	[tilespmem:$0x1D000] =	vst v63  }
0x22: {  	_ =	swait.ge [sflag:s11], $0x4000  }
0x23: {  	s19 =	simm.s32 $0x400;
	s18 =	simm.s32 $0x200;
	[sflag:s11] =	ssyncset.done $0x0  }
.LBB2_2:
0x24: {  	s20 =	sshra.s32 s18, $0x2  }
0x25: {  	[sflag:s11] =	ssyncadd.s32 $0xFFFFC000;
	s18 =	smov.u32 s19;
	s21 =	sadd.s32 $0x200, s19  }
0x26: {  	[tilespmem:s14], [sflag:$0x1] =	stream.indirect.gather [hbm4b:s8+s13], $0x80, s20, s13, $0xb8;
	[tilespmem:$0x1D000] =	vst v63  }
0x27: {  	p0 =	sne.s32 s19, $0x9E00;
	_ =	swait.ge [sflag:s15], $0x4000  }
.Ltmp0:
0x28: {  	[sflag:s15] =	ssyncset.done $0x0;
	(pc) =	sbr.rel @p0 .LBB2_2-.Ltmp0, $4  }
0x29: {  	s19 =	sadd.s32 $0x2800, s20;
	[sflag:s15] =	ssyncadd.s32 $0xFFFFC000  }
0x2a: {  	[spmem:s2] =	stream.indirect.scatter.add.f32 [tilespmem:s14], [sflag:$0x2], $0x80, s19, s13, $0xb8;
	[tilespmem:$0x1D000] =	vst v63  }
0x2b: {  	_ =	swait.ge [sflag:s11], $0x4000  }
0x2c: {  	s19 =	smov.u32 s21;
	[sflag:s11] =	ssyncset.done $0x0  }
0x2d: {  	s18 =	sshra.s32 s18, $0x2;
	[sflag:s11] =	ssyncadd.s32 $0xFFFFC000  }
0x2e: {  	[tilespmem:s14], [sflag:$0x1] =	stream.indirect.gather [hbm4b:s8+s13], $0x80, s18, s13, $0xb8;
	[tilespmem:$0x1D000] =	vst v63  }
0x2f: {  	_ =	swait.ge [sflag:s15], $0x4000  }
0x30: {  	[sflag:s15] =	ssyncset.done $0x0  }
0x31: {  	s18 =	sadd.s32 $0x2800, s18;
	[sflag:s15] =	ssyncadd.s32 $0xFFFFC000  }
0x32: {  	[spmem:s2] =	stream.indirect.scatter.add.f32 [tilespmem:s14], [sflag:$0x2], $0x80, s18, s13, $0xb8;
	[tilespmem:$0x1D000] =	vst v63  }
0x33: {  	_ =	swait.ge [sflag:s11], $0x4000  }
0x34: {  	s17 =	sadd.s32 $0x1, s17;
	[sflag:s11] =	ssyncset.done $0x0  }
0x35: {  	p0 =	sne.s32 s17, s9;
	[sflag:s11] =	ssyncadd.s32 $0xFFFFC000  }
.Ltmp1:
0x36: {  	[bflag:$0x0] =	sbarrier.arrive $0xFFFF;
	(pc) =	sbr.rel @p0 .LBB2_1-.Ltmp1, $4  }
0x37: {  	[hbm:s16], [sflag:s5] =	dma.local [spmem:s10], $0x2800  }
0x38: {  	_ =	swait.ge [sflag:s11], $0x2800  }
0x39: {  	[sflag:s11] =	ssyncset.done $0x0  }
0x3a: {  	[sflag:s11] =	ssyncadd.s32 $0xFFFFD800  }
0x3b: {  	_ =	sfence.sel $0x180000  }
0x3c: {  	[bflag:$0x0] =	sbarrier.arrive $0xFFFF  }
0x3d: {  	p0 =	sne.s32 s1, $0x0;
	_ =	strace $0x90000047  }
0x3e: {  	s0 =	sadd.s32 @!p0 $0x100000, s0;
	[bflag:$0x2] =	sbarrier.arrive $0xFFFF  }
0x3f: {  	[sflag:s0] =	ssyncadd.tile.s32 @!p0 $0x1;
	_ =	shalt  }
.Lfunc_end2:
_tile_overlayer_lowered:
.L_overlay_start_2:
0x40: {  	(tag) =	ssettag $0x2  }
0x41: {  	s0 =	rddreg [dreg:$0x0];
	s2 =	stileid.u32  }
0x42: {  	s1 =	rddreg [dreg:$0x1];
	p0 =	sne.s32 s2, $0x0  }
0x43: {  	s3 =	rddreg [dreg:$0x2];
	[bflag:$0x3] =	sbarrier.arrive $0xFFFF;
	s2 =	simm.s32 @!p0 $0x1C02  }
0x44: {  	[timem:s3], [sflag:s2] =	dma.local @!p0 [hbm:s0], s1  }
0x45: {  	s0 =	simm.s32 @!p0 $0x2  }
0x46: {  	_ =	swait.ge @!p0 [sflag:s0], s1  }
0x47: {  	s1 =	ssub.s32 @!p0 $0x0, s1;
	[sflag:s0] =	ssyncset.done @!p0 $0x0  }
0x48: {  	[sflag:s0] =	ssyncadd.s32 @!p0 s1  }
0x49: {  	[bflag:$0x3] =	sbarrier.arrive $0xFFFF  }
0x4a: {  	_ =	shalt  }

// kernel: kernel.15.cloned.1.call-start
scs
__scs_entry_jumppad:
0x0: {  	(pc) =	sbr.rel $0x88, $3  }
0x1: {  	(tag) =	ssettag $0x0;
	lr =	simm.s32 $0x1  }
0x2: {  	[smem:$0x3F92] =	sst lr;
	_ =	strace $0xD0000000  }
0x3: {  	_ = 	snop  }
0x4: {  	_ = 	snop  }
0x5: {  	_ = 	snop  }
0x6: {  	_ = 	snop  }
0x7: {  	_ = 	snop  }
__scs_overlays_trampoline_lowered:
0x8: {  	[smem:$0x3FA1] =	sst s0  }
0x9: {  	[smem:$0x3FA2] =	sst s1  }
0xa: {  	[smem:$0x3FA3] =	sst s2  }
0xb: {  	[smem:$0x3FA4] =	sst s3  }
0xc: {  	[smem:$0x3FA5] =	sst s4  }
0xd: {  	[smem:$0x3FA6] =	sst s5  }
0xe: {  	[smem:$0x3FA7] =	sst s6  }
0xf: {  	[smem:$0x3FA8] =	sst s7  }
0x10: {  	[smem:$0x3FA9] =	sst s8  }
0x11: {  	[smem:$0x3FAA] =	sst s9;
	s0 =	simm.s32 @!p0 $0x0  }
0x12: {  	s1 =	sld [smem:$0x3F90];
	s0 =	simm.s32 @p0 $0x1  }
0x13: {  	[smem:$0x3FAB] =	sst s0;
	s0 =	simm.s32 @!p1 $0x0  }
0x14: {  	s2 =	sld [smem:$0x3F8F];
	s0 =	simm.s32 @p1 $0x1  }
0x15: {  	[smem:$0x3FAC] =	sst s0;
	s0 =	simm.s32 @!p2 $0x0  }
0x16: {  	s3 =	sld [smem:$0x3FDB];
	s0 =	simm.s32 @p2 $0x1  }
0x17: {  	s4 =	simm.s32 $0x1BF5;
	[smem:$0x3FAE] =	sst s0  }
0x18: {  	s0 =	sld [smem:$0x3F91];
	_ =	swait.ge [sflag:s4], $0x0  }
0x19: {  	s7 =	sld [smem:$0x3F92]  }
0x1a: {  	s8 =	sadd.s32 $0xFFFFE003, lr  }
0x1b: {  	s9 =	sadd.s32 $0xFFFFFEF7, lr;
	s5 =	simm.s32 $0xFFFFFFFF;
	p2 =	slt.u32 s8, $0xFFFFF086  }
0x1c: {  	p1 =	slt.u32 s9, $0xF7A;
	s5 =	simm.s32 @!p2 $0x0  }
0x1d: {  	s5 =	simm.s32 @p1 $0x1;
	p0 =	seq.s32 s7, s2  }
0x1e: {  	s7 =	smul.u32 @!p0 $0xF7A, s2;
	p2 =	seq.s32 @!p0 s5, $0x0  }
0x1f: {  	s9 =	smul.u32 $0xF7A, s1;
	s8 =	simm.s32 @!p0 $0x1BF5;
	p2 =	por !p2, p0  }
0x20: {  	[sflag:s8] =	ssyncset.s32 @!p0 $0xFFFFF086;
	s6 =	sadd.s32 @!p0 s3, s7;
	s7 =	simm.s32 @!p0 $0x108  }
0x21: {  	s3 =	sadd.s32 s3, s9;
	s6 =	sadd.s32 @!p0 $0x88, s6;
	s7 =	simm.s32 @p2 $0x1082  }
0x22: {  	[simem:s7], [sflag:s8] =	dma.local @!p0 [hbm:s6], $0xF7A  }
0x23: {  	s9 =	sor.u32 $0xD0000000, s2;
	s6 =	simm.s32 $0x108;
	_ =	swait.ge @!p0 [sflag:s8], $0x0  }
0x24: {  	s3 =	sadd.s32 $0x88, s3;
	s6 =	simm.s32 @!p1 $0x1082;
	[sflag:s4] =	ssyncset.s32 $0xFFFFF086  }
0x25: {  	[simem:s6], [sflag:s4] =	dma.local [hbm:s3], $0xF7A  }
0x26: {  	[smem:$0x3F92] =	sst s1;
	(tag) =	ssettag s2;
	_ =	strace s9  }
0x27: {  	s1 =	sld [smem:$0x3FA2]  }
0x28: {  	s2 =	sld [smem:$0x3FA3]  }
0x29: {  	s4 =	sld [smem:$0x3FA5]  }
0x2a: {  	p0 =	seq.s32 s5, $0x0;
	s5 =	sld [smem:$0x3FA6]  }
0x2b: {  	s6 =	sld [smem:$0x3FA7]  }
0x2c: {  	s7 =	sld [smem:$0x3FA8]  }
0x2d: {  	s3 =	simm.s32 $0x108;
	s8 =	sld [smem:$0x3FA9]  }
0x2e: {  	s3 =	simm.s32 @!p0 $0x1082;
	s9 =	sld [smem:$0x3FAA]  }
0x2f: {  	lr =	sadd.s32 s0, s3;
	s0 =	sld [smem:$0x3FA1]  }
0x30: {  	s3 =	sld [smem:$0x3FA4]  }
0x31: {  	[smem:$0x3FAD] =	sst s10  }
0x32: {  	s10 =	sld [smem:$0x3FAB];
	_ =	sdelay $0x3  }
0x33: {  	p0 =	seq.s32 s10, $0x1;
	s10 =	sld [smem:$0x3FAD];
	_ =	sdelay $0x3  }
0x34: {  	[smem:$0x3FAD] =	sst s10  }
0x35: {  	s10 =	sld [smem:$0x3FAC];
	_ =	sdelay $0x3  }
0x36: {  	p1 =	seq.s32 s10, $0x1;
	s10 =	sld [smem:$0x3FAD];
	_ =	sdelay $0x3  }
0x37: {  	[smem:$0x3FAD] =	sst s10  }
0x38: {  	s10 =	sld [smem:$0x3FAE]  }
0x39: {  	_ = 	snop;
	(pc) =	sbr.ind lr, $3  }
0x3a: {  	_ = 	snop  }
0x3b: {  	_ = 	snop  }
0x3c: {  	p2 =	seq.s32 s10, $0x1;
	s10 =	sld [smem:$0x3FAD]  }
0x3d: {  	_ =	shalt  }
0x3e: {  	_ =	shalt  }
0x3f: {  	_ =	shalt  }
0x40: {  	_ =	shalt  }
0x41: {  	_ =	shalt  }
0x42: {  	_ =	shalt  }
0x43: {  	_ =	shalt  }
0x44: {  	_ =	shalt  }
0x45: {  	_ =	shalt  }
0x46: {  	_ =	shalt  }
0x47: {  	_ =	shalt  }
0x48: {  	_ =	shalt  }
0x49: {  	_ =	shalt  }
0x4a: {  	_ =	shalt  }
0x4b: {  	_ =	shalt  }
0x4c: {  	_ =	shalt  }
0x4d: {  	_ =	shalt  }
0x4e: {  	_ =	shalt  }
0x4f: {  	_ =	shalt  }
0x50: {  	_ =	shalt  }
0x51: {  	_ =	shalt  }
0x52: {  	_ =	shalt  }
0x53: {  	_ =	shalt  }
0x54: {  	_ =	shalt  }
0x55: {  	_ =	shalt  }
0x56: {  	_ =	shalt  }
0x57: {  	_ =	shalt  }
0x58: {  	_ =	shalt  }
0x59: {  	_ =	shalt  }
0x5a: {  	_ =	shalt  }
0x5b: {  	_ =	shalt  }
0x5c: {  	_ =	shalt  }
0x5d: {  	_ =	shalt  }
0x5e: {  	_ =	shalt  }
0x5f: {  	_ =	shalt  }
0x60: {  	_ =	shalt  }
0x61: {  	_ =	shalt  }
0x62: {  	_ =	shalt  }
0x63: {  	_ =	shalt  }
0x64: {  	_ =	shalt  }
0x65: {  	_ =	shalt  }
0x66: {  	_ =	shalt  }
0x67: {  	_ =	shalt  }
0x68: {  	_ =	shalt  }
0x69: {  	_ =	shalt  }
0x6a: {  	_ =	shalt  }
0x6b: {  	_ =	shalt  }
0x6c: {  	_ =	shalt  }
0x6d: {  	_ =	shalt  }
0x6e: {  	_ =	shalt  }
0x6f: {  	_ =	shalt  }
0x70: {  	_ =	shalt  }
0x71: {  	_ =	shalt  }
0x72: {  	_ =	shalt  }
0x73: {  	_ =	shalt  }
0x74: {  	_ =	shalt  }
0x75: {  	_ =	shalt  }
0x76: {  	_ =	shalt  }
0x77: {  	_ =	shalt  }
0x78: {  	_ =	shalt  }
0x79: {  	_ =	shalt  }
0x7a: {  	_ =	shalt  }
0x7b: {  	_ =	shalt  }
0x7c: {  	_ =	shalt  }
0x7d: {  	_ =	shalt  }
0x7e: {  	_ =	shalt  }
0x7f: {  	_ =	shalt  }
0x80: {  	_ =	shalt  }
0x81: {  	_ =	shalt  }
0x82: {  	_ =	shalt  }
0x83: {  	_ =	shalt  }
0x84: {  	_ =	shalt  }
0x85: {  	_ =	shalt  }
0x86: {  	_ =	shalt  }
0x87: {  	_ =	shalt  }
.Lfunc_end0:
.L_simem_size_0:
called_computation.2_lowered:
.L_overlay_start_0:
0x88: {  	s2 =	sld [smem:$0x3FD9]  }
0x89: {  	s3 =	sld [smem:$0x3FFE];
	_ =	sdelay $0x1  }
0x8a: {  	s1 =	srdreg.scid  }
0x8b: {  	s0 =	sand.u32 $0x1, s1  }
0x8c: {  	s14 =	sshll.u32 s0, $0xA;
	s2 =	sadd.s32 s3, s2  }
0x8d: {  	s2 =	sadd.s32 s2, s14  }
0x8e: {  	[smem:$0x3FB9] =	sst s2  }
0x8f: {  	_ = 	snop  }
0x90: {  	s2 =	sld [smem:$0x3FD0];
	_ =	sdelay $0x2  }
0x91: {  	s15 =	simm.s32 $0xB;
	s4 =	simm.s32 $0x10  }
0x92: {  	[smem:s4], [sflag:s15] =	dma.local [hbm:s2], $0x1  }
0x93: {  	_ =	swait.eq [sflag:s15], $0x1  }
0x94: {  	[sflag:s15] =	ssyncset.done $0x0  }
0x95: {  	[sflag:s15] =	ssyncadd.s32 $0xFFFFFFFF  }
0x96: {  	s16 =	sld [smem:$0x10];
	(tm) =	ssettm $0x1  }
0x97: {  	s17 =	sld [smem:$0x3FFB];
	_ =	sdelay $0x3  }
0x98: {  	_ =	strace s17  }
0x99: {  	s3 =	sld [smem:$0x3FFC];
	_ =	sdelay $0x3  }
0x9a: {  	_ =	strace s3  }
0x9b: {  	s3 =	sld [smem:$0x3FFD];
	_ =	sdelay $0x3  }
0x9c: {  	_ =	strace s3  }
0x9d: {  	_ =	strace $0x8FFFFFFF  }
0x9e: {  	s18 =	sld [smem:$0x3FDB];
	_ =	sdelay $0x1  }
0x9f: {  	s19 =	simm.s32 $_scs_section_size  }
0xa0: {  	s5 =	simm.s32 $_size__tile_overlayer_lowered;
	s6 =	simm.s32 $_tile_overlayer_lowered  }
0xa1: {  	s22 =	simm.s32 $0x1BFF;
	s21 =	sshll.u32 s6, $0x1;
	s3 =	sadd.s32 s19, s18  }
0xa2: {  	s7 =	simm.s32 $0x0;
	s20 =	sshll.u32 s5, $0x1;
	s5 =	sadd.s32 s21, s3  }
0xa3: {  	[timem:s7], [sflag:s22] =	dma.local [hbm:s5], s20  }
0xa4: {  	_ =	swait.ge [sflag:s22], s20  }
0xa5: {  	s4 =	ssub.s32 $0x0, s20;
	[sflag:s22] =	ssyncset.done $0x0  }
0xa6: {  	[sflag:s22] =	ssyncadd.s32 s4;
	_ =	sdelay $0x1  }
0xa7: {  	s23 =	simm.s32 $0x1B8B  }
0xa8: {  	_ =	swait.ge [sflag:s23], $0x1  }
0xa9: {  	[sflag:s23] =	ssyncset.done $0x0  }
0xaa: {  	s25 =	simm.s32 $0x1B8E;
	s24 =	sld [smem:$0x3FFE];
	[sflag:s23] =	ssyncadd.s32 $0xFFFFFFFF  }
0xab: {  	s26 =	simm.s32 $execute0_lowered;
	[smem:$0x3FD2] =	sst s25  }
0xac: {  	s5 =	sshll.u32 s26, $0x1;
	_ =	strace $0x8000004C;
	[dreg:$0x1] =	wrdreg $0xFFFFFFFF  }
0xad: {  	s28 =	simm.s32 $_size_execute0_lowered;
	s3 =	sadd.s32 s3, s5;
	[dreg:$0x0] =	wrdreg $0x0  }
0xae: {  	s5 =	sshll.u32 s28, $0x1;
	[dreg:$0x2] =	wrdreg s3  }
0xaf: {  	[dreg:$0x3] =	wrdreg s5  }
0xb0: {  	[dreg:$0x4] =	wrdreg $0xC0  }
0xb1: {  	_ =	task [dreg:s7], $0x5FFFF  }
0xb2: {  	[dreg:$0x1] =	wrdreg $0xFFFFFFFF  }
0xb3: {  	[dreg:$0x0] =	wrdreg $0x60  }
0xb4: {  	[dreg:$0x2] =	wrdreg s24  }
0xb5: {  	[dreg:$0x3] =	wrdreg s16  }
0xb6: {  	[dreg:$0x4] =	wrdreg $0x90000  }
0xb7: {  	[dreg:$0x5] =	wrdreg $0x9  }
0xb8: {  	_ =	task.clear_ibuf [dreg:s7], $0x6FFFF;
	_ =	strace $0x9000004C  }
0xb9: {  	s29 =	simm.s32 $0x9;
	_ =	strace $0x8000004E  }
0xba: {  	_ =	swait.ge [sflag:s29], $0x1  }
0xbb: {  	[sflag:s29] =	ssyncadd.s32 $0xFFFFFFFF  }
0xbc: {  	_ =	strace $0x9000004E  }
0xbd: {  	_ =	sfence  }
0xbe: {  	s30 =	sld [smem:$0x0];
	_ =	sdelay $0x2  }
0xbf: {  	s31 =	sshll.u32 s1, $0xD;
	s1 =	sshrl.u32 s1, $0x2  }
0xc0: {  	s3 =	sand.u32 $0x4000, s31;
	s1 =	sadd.s32 s1, s30  }
0xc1: {  	s0 =	sor.u32 s3, s0;
	s1 =	sshll.u32 s1, $0x11  }
0xc2: {  	s0 =	sor.u32 s1, s0  }
0xc3: {  	s0 =	sadd.s32 $0x8F2B, s0  }
0xc4: {  	[sflag:s0] =	ssyncadd.remote.s32 $0x1  }
0xc5: {  	_ =	sfence.sel $0xFFFF  }
0xc6: {  	[dreg:$0x0] =	wrdreg $0xFFFFFFFF;
	(pc) =	sbr.abs _section_cstart, $3  }
0xc7: {  	[dreg:$0x1] =	wrdreg $0xFFFFFFFF  }
0xc8: {  	_ =	task.clear_ibuf [dreg:s7], $0x2FFFF;
	_ =	strace $0x9FFFFFFF  }
0xc9: {  	(tm) =	ssettm $0x7FFFFFFF  }
tec
execute0_lowered:
.L_overlay_start_1:
0x0: {  	(tag) =	ssettag $0x1  }
0x1: {  	s5 =	rddreg [dreg:$0x0]  }
0x2: {  	s6 =	rddreg [dreg:$0x1]  }
0x3: {  	s2 =	rddreg [dreg:$0x2]  }
0x4: {  	s0 =	rddreg [dreg:$0x3]  }
0x5: {  	s1 =	stileid.u32;
	s4 =	srdreg.scid;
	s3 =	simm.s32 $0x0  }
0x6: {  	s13 =	simm.s32 $0x80;
	s14 =	simm.s32 $0x5000;
	s7 =	smul.u32 $0x500, s1  }
0x7: {  	s15 =	simm.s32 $0x1;
	s8 =	sand.u32 $0x1, s4;
	s10 =	smul.u32 $0x50000, s1  }
0x8: {  	[smem:$0x7FF] =	sst s3;
	s4 =	sadd.s32 $0x57200, s5;
	s17 =	smul.u32 $0x2800, s1  }
0x9: {  	s31 =	sshll.u32 s1, $0x6;
	s9 =	smul.u32 $0x28000, s8;
	s8 =	ssub.s32 $0x2, s8  }
0xa: {  	_ =	strace $0x8000004D;
	s11 =	sadd.s32 s7, s5;
	s30 =	sshrl.u32 s8, $0x1  }
0xb: {  	s10 =	sshrl.u32 s10, $0x2;
	s6 =	sadd.s32 s6, s7;
	s9 =	sadd.s32 s9, s5  }
0xc: {  	s12 =	ssub.s32 s8, s30;
	s10 =	sadd.s32 s10, s2;
	s5 =	sor.u32 $0x1C02, s31  }
0xd: {  	s7 =	sadd.s32 $0x2200, s11;
	s11 =	simm.s32 $0x2;
	s8 =	sadd.s32 $0x7200, s9  }
0xe: {  	s16 =	sadd.s32 $0x59A00, s9;
	s9 =	smax.u32 s12, $0x1;
	s10 =	sshrl.u32 s10, $0x3  }
0xf: {  	s12 =	simm.s32 $0x2800;
	s16 =	sadd.s32 s17, s16;
	s17 =	simm.s32 $0x0  }
.LBB2_1:
0x10: {  	[spmem:s10], [sflag:s5] =	dma.local [hbm:s4], $0x2800  }
0x11: {  	_ =	swait.ge [sflag:s11], $0x2800  }
0x12: {  	[sflag:s11] =	ssyncset.done $0x0  }
0x13: {  	[sflag:s11] =	ssyncadd.s32 $0xFFFFD800  }
0x14: {  	[tilespmem:s3], [sflag:$0x2] =	stream.linear.gather [hbm4b:s6+s3], $0x2800, $0x38;
	[tilespmem:$0x1D000] =	vst v63  }
0x15: {  	_ =	swait.ge [sflag:s11], $0x2800  }
0x16: {  	[sflag:s11] =	ssyncset.done $0x0  }
0x17: {  	[sflag:s11] =	ssyncadd.s32 $0xFFFFD800  }
0x18: {  	[tilespmem:s12], [sflag:$0x2] =	stream.linear.gather [hbm4b:s7+s3], $0x2800, $0x38;
	[tilespmem:$0x1D000] =	vst v63  }
0x19: {  	_ =	swait.ge [sflag:s11], $0x2800  }
0x1a: {  	[sflag:s11] =	ssyncset.done $0x0  }
0x1b: {  	[sflag:s11] =	ssyncadd.s32 $0xFFFFD800  }
0x1c: {  	s18 =	simm.s32 $0x0;
	[bflag:$0x0] =	sbarrier.arrive $0xFFFF  }
0x1d: {  	[tilespmem:s14], [sflag:$0x1] =	stream.indirect.gather [hbm4b:s8+s13], $0x80, s18, s13, $0xb8;
	[tilespmem:$0x1D000] =	vst v63  }
0x1e: {  	_ =	swait.ge [sflag:s15], $0x4000  }
0x1f: {  	[sflag:s15] =	ssyncset.done $0x0  }
0x20: {  	s31 =	simm.s32 $0x2800;
	[sflag:s15] =	ssyncadd.s32 $0xFFFFC000  }
0x21: {  	[spmem:s2] =	stream.indirect.scatter.add.f32 [tilespmem:s14], [sflag:$0x2], $0x80, s31, s13, $0xb8;
	[tilespmem:$0x1D000] =	vst v63  }
0x22: {  	_ =	swait.ge [sflag:s11], $0x4000  }
0x23: {  	s19 =	simm.s32 $0x400;
	s18 =	simm.s32 $0x200;
	[sflag:s11] =	ssyncset.done $0x0  }
.LBB2_2:
0x24: {  	s20 =	sshra.s32 s18, $0x2  }
0x25: {  	[sflag:s11] =	ssyncadd.s32 $0xFFFFC000;
	s18 =	smov.u32 s19;
	s21 =	sadd.s32 $0x200, s19  }
0x26: {  	[tilespmem:s14], [sflag:$0x1] =	stream.indirect.gather [hbm4b:s8+s13], $0x80, s20, s13, $0xb8;
	[tilespmem:$0x1D000] =	vst v63  }
0x27: {  	p0 =	sne.s32 s19, $0x9E00;
	_ =	swait.ge [sflag:s15], $0x4000  }
.Ltmp0:
0x28: {  	[sflag:s15] =	ssyncset.done $0x0;
	(pc) =	sbr.rel @p0 .LBB2_2-.Ltmp0, $4  }
0x29: {  	s19 =	sadd.s32 $0x2800, s20;
	[sflag:s15] =	ssyncadd.s32 $0xFFFFC000  }
0x2a: {  	[spmem:s2] =	stream.indirect.scatter.add.f32 [tilespmem:s14], [sflag:$0x2], $0x80, s19, s13, $0xb8;
	[tilespmem:$0x1D000] =	vst v63  }
0x2b: {  	_ =	swait.ge [sflag:s11], $0x4000  }
0x2c: {  	s19 =	smov.u32 s21;
	[sflag:s11] =	ssyncset.done $0x0  }
0x2d: {  	s18 =	sshra.s32 s18, $0x2;
	[sflag:s11] =	ssyncadd.s32 $0xFFFFC000  }
0x2e: {  	[tilespmem:s14], [sflag:$0x1] =	stream.indirect.gather [hbm4b:s8+s13], $0x80, s18, s13, $0xb8;
	[tilespmem:$0x1D000] =	vst v63  }
0x2f: {  	_ =	swait.ge [sflag:s15], $0x4000  }
0x30: {  	[sflag:s15] =	ssyncset.done $0x0  }
0x31: {  	s18 =	sadd.s32 $0x2800, s18;
	[sflag:s15] =	ssyncadd.s32 $0xFFFFC000  }
0x32: {  	[spmem:s2] =	stream.indirect.scatter.add.f32 [tilespmem:s14], [sflag:$0x2], $0x80, s18, s13, $0xb8;
	[tilespmem:$0x1D000] =	vst v63  }
0x33: {  	_ =	swait.ge [sflag:s11], $0x4000  }
0x34: {  	s17 =	sadd.s32 $0x1, s17;
	[sflag:s11] =	ssyncset.done $0x0  }
0x35: {  	p0 =	sne.s32 s17, s9;
	[sflag:s11] =	ssyncadd.s32 $0xFFFFC000  }
.Ltmp1:
0x36: {  	[bflag:$0x0] =	sbarrier.arrive $0xFFFF;
	(pc) =	sbr.rel @p0 .LBB2_1-.Ltmp1, $4  }
0x37: {  	[hbm:s16], [sflag:s5] =	dma.local [spmem:s10], $0x2800  }
0x38: {  	_ =	swait.ge [sflag:s11], $0x2800  }
0x39: {  	[sflag:s11] =	ssyncset.done $0x0  }
0x3a: {  	[sflag:s11] =	ssyncadd.s32 $0xFFFFD800  }
0x3b: {  	_ =	sfence.sel $0x180000  }
0x3c: {  	[bflag:$0x0] =	sbarrier.arrive $0xFFFF  }
0x3d: {  	p0 =	sne.s32 s1, $0x0;
	_ =	strace $0x9000004D  }
0x3e: {  	s0 =	sadd.s32 @!p0 $0x100000, s0;
	[bflag:$0x2] =	sbarrier.arrive $0xFFFF  }
0x3f: {  	[sflag:s0] =	ssyncadd.tile.s32 @!p0 $0x1;
	_ =	shalt  }
.Lfunc_end2:
_tile_overlayer_lowered:
.L_overlay_start_2:
0x40: {  	(tag) =	ssettag $0x2  }
0x41: {  	s0 =	rddreg [dreg:$0x0];
	s2 =	stileid.u32  }
0x42: {  	s1 =	rddreg [dreg:$0x1];
	p0 =	sne.s32 s2, $0x0  }
0x43: {  	s3 =	rddreg [dreg:$0x2];
	[bflag:$0x3] =	sbarrier.arrive $0xFFFF;
	s2 =	simm.s32 @!p0 $0x1C02  }
0x44: {  	[timem:s3], [sflag:s2] =	dma.local @!p0 [hbm:s0], s1  }
0x45: {  	s0 =	simm.s32 @!p0 $0x2  }
0x46: {  	_ =	swait.ge @!p0 [sflag:s0], s1  }
0x47: {  	s1 =	ssub.s32 @!p0 $0x0, s1;
	[sflag:s0] =	ssyncset.done @!p0 $0x0  }
0x48: {  	[sflag:s0] =	ssyncadd.s32 @!p0 s1  }
0x49: {  	[bflag:$0x3] =	sbarrier.arrive $0xFFFF  }
0x4a: {  	_ =	shalt  }

// kernel: kernel.18.cloned.1.call-start
scs
__scs_entry_jumppad:
0x0: {  	(pc) =	sbr.rel $0x88, $3  }
0x1: {  	(tag) =	ssettag $0x0;
	lr =	simm.s32 $0x1  }
0x2: {  	[smem:$0x3F92] =	sst lr;
	_ =	strace $0xD0000000  }
0x3: {  	_ = 	snop  }
0x4: {  	_ = 	snop  }
0x5: {  	_ = 	snop  }
0x6: {  	_ = 	snop  }
0x7: {  	_ = 	snop  }
__scs_overlays_trampoline_lowered:
0x8: {  	[smem:$0x3FA1] =	sst s0  }
0x9: {  	[smem:$0x3FA2] =	sst s1  }
0xa: {  	[smem:$0x3FA3] =	sst s2  }
0xb: {  	[smem:$0x3FA4] =	sst s3  }
0xc: {  	[smem:$0x3FA5] =	sst s4  }
0xd: {  	[smem:$0x3FA6] =	sst s5  }
0xe: {  	[smem:$0x3FA7] =	sst s6  }
0xf: {  	[smem:$0x3FA8] =	sst s7  }
0x10: {  	[smem:$0x3FA9] =	sst s8  }
0x11: {  	[smem:$0x3FAA] =	sst s9;
	s0 =	simm.s32 @!p0 $0x0  }
0x12: {  	s1 =	sld [smem:$0x3F90];
	s0 =	simm.s32 @p0 $0x1  }
0x13: {  	[smem:$0x3FAB] =	sst s0;
	s0 =	simm.s32 @!p1 $0x0  }
0x14: {  	s2 =	sld [smem:$0x3F8F];
	s0 =	simm.s32 @p1 $0x1  }
0x15: {  	[smem:$0x3FAC] =	sst s0;
	s0 =	simm.s32 @!p2 $0x0  }
0x16: {  	s3 =	sld [smem:$0x3FDB];
	s0 =	simm.s32 @p2 $0x1  }
0x17: {  	s4 =	simm.s32 $0x1BF5;
	[smem:$0x3FAE] =	sst s0  }
0x18: {  	s0 =	sld [smem:$0x3F91];
	_ =	swait.ge [sflag:s4], $0x0  }
0x19: {  	s7 =	sld [smem:$0x3F92]  }
0x1a: {  	s8 =	sadd.s32 $0xFFFFE003, lr  }
0x1b: {  	s9 =	sadd.s32 $0xFFFFFEF7, lr;
	s5 =	simm.s32 $0xFFFFFFFF;
	p2 =	slt.u32 s8, $0xFFFFF086  }
0x1c: {  	p1 =	slt.u32 s9, $0xF7A;
	s5 =	simm.s32 @!p2 $0x0  }
0x1d: {  	s5 =	simm.s32 @p1 $0x1;
	p0 =	seq.s32 s7, s2  }
0x1e: {  	s7 =	smul.u32 @!p0 $0xF7A, s2;
	p2 =	seq.s32 @!p0 s5, $0x0  }
0x1f: {  	s9 =	smul.u32 $0xF7A, s1;
	s8 =	simm.s32 @!p0 $0x1BF5;
	p2 =	por !p2, p0  }
0x20: {  	[sflag:s8] =	ssyncset.s32 @!p0 $0xFFFFF086;
	s6 =	sadd.s32 @!p0 s3, s7;
	s7 =	simm.s32 @!p0 $0x108  }
0x21: {  	s3 =	sadd.s32 s3, s9;
	s6 =	sadd.s32 @!p0 $0x88, s6;
	s7 =	simm.s32 @p2 $0x1082  }
0x22: {  	[simem:s7], [sflag:s8] =	dma.local @!p0 [hbm:s6], $0xF7A  }
0x23: {  	s9 =	sor.u32 $0xD0000000, s2;
	s6 =	simm.s32 $0x108;
	_ =	swait.ge @!p0 [sflag:s8], $0x0  }
0x24: {  	s3 =	sadd.s32 $0x88, s3;
	s6 =	simm.s32 @!p1 $0x1082;
	[sflag:s4] =	ssyncset.s32 $0xFFFFF086  }
0x25: {  	[simem:s6], [sflag:s4] =	dma.local [hbm:s3], $0xF7A  }
0x26: {  	[smem:$0x3F92] =	sst s1;
	(tag) =	ssettag s2;
	_ =	strace s9  }
0x27: {  	s1 =	sld [smem:$0x3FA2]  }
0x28: {  	s2 =	sld [smem:$0x3FA3]  }
0x29: {  	s4 =	sld [smem:$0x3FA5]  }
0x2a: {  	p0 =	seq.s32 s5, $0x0;
	s5 =	sld [smem:$0x3FA6]  }
0x2b: {  	s6 =	sld [smem:$0x3FA7]  }
0x2c: {  	s7 =	sld [smem:$0x3FA8]  }
0x2d: {  	s3 =	simm.s32 $0x108;
	s8 =	sld [smem:$0x3FA9]  }
0x2e: {  	s3 =	simm.s32 @!p0 $0x1082;
	s9 =	sld [smem:$0x3FAA]  }
0x2f: {  	lr =	sadd.s32 s0, s3;
	s0 =	sld [smem:$0x3FA1]  }
0x30: {  	s3 =	sld [smem:$0x3FA4]  }
0x31: {  	[smem:$0x3FAD] =	sst s10  }
0x32: {  	s10 =	sld [smem:$0x3FAB];
	_ =	sdelay $0x3  }
0x33: {  	p0 =	seq.s32 s10, $0x1;
	s10 =	sld [smem:$0x3FAD];
	_ =	sdelay $0x3  }
0x34: {  	[smem:$0x3FAD] =	sst s10  }
0x35: {  	s10 =	sld [smem:$0x3FAC];
	_ =	sdelay $0x3  }
0x36: {  	p1 =	seq.s32 s10, $0x1;
	s10 =	sld [smem:$0x3FAD];
	_ =	sdelay $0x3  }
0x37: {  	[smem:$0x3FAD] =	sst s10  }
0x38: {  	s10 =	sld [smem:$0x3FAE]  }
0x39: {  	_ = 	snop;
	(pc) =	sbr.ind lr, $3  }
0x3a: {  	_ = 	snop  }
0x3b: {  	_ = 	snop  }
0x3c: {  	p2 =	seq.s32 s10, $0x1;
	s10 =	sld [smem:$0x3FAD]  }
0x3d: {  	_ =	shalt  }
0x3e: {  	_ =	shalt  }
0x3f: {  	_ =	shalt  }
0x40: {  	_ =	shalt  }
0x41: {  	_ =	shalt  }
0x42: {  	_ =	shalt  }
0x43: {  	_ =	shalt  }
0x44: {  	_ =	shalt  }
0x45: {  	_ =	shalt  }
0x46: {  	_ =	shalt  }
0x47: {  	_ =	shalt  }
0x48: {  	_ =	shalt  }
0x49: {  	_ =	shalt  }
0x4a: {  	_ =	shalt  }
0x4b: {  	_ =	shalt  }
0x4c: {  	_ =	shalt  }
0x4d: {  	_ =	shalt  }
0x4e: {  	_ =	shalt  }
0x4f: {  	_ =	shalt  }
0x50: {  	_ =	shalt  }
0x51: {  	_ =	shalt  }
0x52: {  	_ =	shalt  }
0x53: {  	_ =	shalt  }
0x54: {  	_ =	shalt  }
0x55: {  	_ =	shalt  }
0x56: {  	_ =	shalt  }
0x57: {  	_ =	shalt  }
0x58: {  	_ =	shalt  }
0x59: {  	_ =	shalt  }
0x5a: {  	_ =	shalt  }
0x5b: {  	_ =	shalt  }
0x5c: {  	_ =	shalt  }
0x5d: {  	_ =	shalt  }
0x5e: {  	_ =	shalt  }
0x5f: {  	_ =	shalt  }
0x60: {  	_ =	shalt  }
0x61: {  	_ =	shalt  }
0x62: {  	_ =	shalt  }
0x63: {  	_ =	shalt  }
0x64: {  	_ =	shalt  }
0x65: {  	_ =	shalt  }
0x66: {  	_ =	shalt  }
0x67: {  	_ =	shalt  }
0x68: {  	_ =	shalt  }
0x69: {  	_ =	shalt  }
0x6a: {  	_ =	shalt  }
0x6b: {  	_ =	shalt  }
0x6c: {  	_ =	shalt  }
0x6d: {  	_ =	shalt  }
0x6e: {  	_ =	shalt  }
0x6f: {  	_ =	shalt  }
0x70: {  	_ =	shalt  }
0x71: {  	_ =	shalt  }
0x72: {  	_ =	shalt  }
0x73: {  	_ =	shalt  }
0x74: {  	_ =	shalt  }
0x75: {  	_ =	shalt  }
0x76: {  	_ =	shalt  }
0x77: {  	_ =	shalt  }
0x78: {  	_ =	shalt  }
0x79: {  	_ =	shalt  }
0x7a: {  	_ =	shalt  }
0x7b: {  	_ =	shalt  }
0x7c: {  	_ =	shalt  }
0x7d: {  	_ =	shalt  }
0x7e: {  	_ =	shalt  }
0x7f: {  	_ =	shalt  }
0x80: {  	_ =	shalt  }
0x81: {  	_ =	shalt  }
0x82: {  	_ =	shalt  }
0x83: {  	_ =	shalt  }
0x84: {  	_ =	shalt  }
0x85: {  	_ =	shalt  }
0x86: {  	_ =	shalt  }
0x87: {  	_ =	shalt  }
.Lfunc_end0:
.L_simem_size_0:
called_computation.3_lowered:
.L_overlay_start_0:
0x88: {  	s2 =	sld [smem:$0x3FD9]  }
0x89: {  	s3 =	sld [smem:$0x3FFE];
	_ =	sdelay $0x1  }
0x8a: {  	s1 =	srdreg.scid  }
0x8b: {  	s0 =	sand.u32 $0x1, s1  }
0x8c: {  	s14 =	sshll.u32 s0, $0xA;
	s2 =	sadd.s32 s3, s2  }
0x8d: {  	s2 =	sadd.s32 s2, s14  }
0x8e: {  	[smem:$0x3FB9] =	sst s2  }
0x8f: {  	_ = 	snop  }
0x90: {  	s2 =	sld [smem:$0x3FD0];
	_ =	sdelay $0x2  }
0x91: {  	s15 =	simm.s32 $0xB;
	s4 =	simm.s32 $0x10  }
0x92: {  	[smem:s4], [sflag:s15] =	dma.local [hbm:s2], $0x1  }
0x93: {  	_ =	swait.eq [sflag:s15], $0x1  }
0x94: {  	[sflag:s15] =	ssyncset.done $0x0  }
0x95: {  	[sflag:s15] =	ssyncadd.s32 $0xFFFFFFFF  }
0x96: {  	s16 =	sld [smem:$0x10];
	(tm) =	ssettm $0x1  }
0x97: {  	s17 =	sld [smem:$0x3FFB];
	_ =	sdelay $0x3  }
0x98: {  	_ =	strace s17  }
0x99: {  	s3 =	sld [smem:$0x3FFC];
	_ =	sdelay $0x3  }
0x9a: {  	_ =	strace s3  }
0x9b: {  	s3 =	sld [smem:$0x3FFD];
	_ =	sdelay $0x3  }
0x9c: {  	_ =	strace s3  }
0x9d: {  	_ =	strace $0x8FFFFFFF  }
0x9e: {  	s18 =	sld [smem:$0x3FDB];
	_ =	sdelay $0x1  }
0x9f: {  	s19 =	simm.s32 $_scs_section_size  }
0xa0: {  	s5 =	simm.s32 $_size__tile_overlayer_lowered;
	s6 =	simm.s32 $_tile_overlayer_lowered  }
0xa1: {  	s22 =	simm.s32 $0x1BFF;
	s21 =	sshll.u32 s6, $0x1;
	s3 =	sadd.s32 s19, s18  }
0xa2: {  	s7 =	simm.s32 $0x0;
	s20 =	sshll.u32 s5, $0x1;
	s5 =	sadd.s32 s21, s3  }
0xa3: {  	[timem:s7], [sflag:s22] =	dma.local [hbm:s5], s20  }
0xa4: {  	_ =	swait.ge [sflag:s22], s20  }
0xa5: {  	s4 =	ssub.s32 $0x0, s20;
	[sflag:s22] =	ssyncset.done $0x0  }
0xa6: {  	[sflag:s22] =	ssyncadd.s32 s4;
	_ =	sdelay $0x1  }
0xa7: {  	s23 =	simm.s32 $0x1B8B  }
0xa8: {  	_ =	swait.ge [sflag:s23], $0x1  }
0xa9: {  	[sflag:s23] =	ssyncset.done $0x0  }
0xaa: {  	s25 =	simm.s32 $0x1B8E;
	s24 =	sld [smem:$0x3FFE];
	[sflag:s23] =	ssyncadd.s32 $0xFFFFFFFF  }
0xab: {  	s26 =	simm.s32 $execute0_lowered;
	[smem:$0x3FD2] =	sst s25  }
0xac: {  	s5 =	sshll.u32 s26, $0x1;
	_ =	strace $0x8000004F;
	[dreg:$0x1] =	wrdreg $0xFFFFFFFF  }
0xad: {  	s28 =	simm.s32 $_size_execute0_lowered;
	s3 =	sadd.s32 s3, s5;
	[dreg:$0x0] =	wrdreg $0x0  }
0xae: {  	s5 =	sshll.u32 s28, $0x1;
	[dreg:$0x2] =	wrdreg s3  }
0xaf: {  	[dreg:$0x3] =	wrdreg s5  }
0xb0: {  	[dreg:$0x4] =	wrdreg $0xC0  }
0xb1: {  	_ =	task [dreg:s7], $0x5FFFF  }
0xb2: {  	[dreg:$0x1] =	wrdreg $0xFFFFFFFF  }
0xb3: {  	[dreg:$0x0] =	wrdreg $0x60  }
0xb4: {  	[dreg:$0x2] =	wrdreg s24  }
0xb5: {  	[dreg:$0x3] =	wrdreg s16  }
0xb6: {  	[dreg:$0x4] =	wrdreg $0x90000  }
0xb7: {  	[dreg:$0x5] =	wrdreg $0x9  }
0xb8: {  	_ =	task.clear_ibuf [dreg:s7], $0x6FFFF;
	_ =	strace $0x9000004F  }
0xb9: {  	s29 =	simm.s32 $0x9;
	_ =	strace $0x80000051  }
0xba: {  	_ =	swait.ge [sflag:s29], $0x1  }
0xbb: {  	[sflag:s29] =	ssyncadd.s32 $0xFFFFFFFF  }
0xbc: {  	_ =	strace $0x90000051  }
0xbd: {  	_ =	sfence  }
0xbe: {  	s30 =	sld [smem:$0x0];
	_ =	sdelay $0x2  }
0xbf: {  	s31 =	sshll.u32 s1, $0xD;
	s1 =	sshrl.u32 s1, $0x2  }
0xc0: {  	s3 =	sand.u32 $0x4000, s31;
	s1 =	sadd.s32 s1, s30  }
0xc1: {  	s0 =	sor.u32 s3, s0;
	s1 =	sshll.u32 s1, $0x11  }
0xc2: {  	s0 =	sor.u32 s1, s0  }
0xc3: {  	s0 =	sadd.s32 $0x8F2B, s0  }
0xc4: {  	[sflag:s0] =	ssyncadd.remote.s32 $0x1  }
0xc5: {  	_ =	sfence.sel $0xFFFF  }
0xc6: {  	[dreg:$0x0] =	wrdreg $0xFFFFFFFF;
	(pc) =	sbr.abs _section_cstart, $3  }
0xc7: {  	[dreg:$0x1] =	wrdreg $0xFFFFFFFF  }
0xc8: {  	_ =	task.clear_ibuf [dreg:s7], $0x2FFFF;
	_ =	strace $0x9FFFFFFF  }
0xc9: {  	(tm) =	ssettm $0x7FFFFFFF  }
tec
execute0_lowered:
.L_overlay_start_1:
0x0: {  	(tag) =	ssettag $0x1  }
0x1: {  	s5 =	rddreg [dreg:$0x0]  }
0x2: {  	s6 =	rddreg [dreg:$0x1]  }
0x3: {  	s2 =	rddreg [dreg:$0x2]  }
0x4: {  	s0 =	rddreg [dreg:$0x3]  }
0x5: {  	s1 =	stileid.u32;
	s4 =	srdreg.scid;
	s3 =	simm.s32 $0x0  }
0x6: {  	s13 =	simm.s32 $0x80;
	s14 =	simm.s32 $0x5000;
	s7 =	smul.u32 $0x500, s1  }
0x7: {  	s15 =	simm.s32 $0x1;
	s8 =	sand.u32 $0x1, s4;
	s10 =	smul.u32 $0x50000, s1  }
0x8: {  	[smem:$0x7FF] =	sst s3;
	s4 =	sadd.s32 $0x57200, s5;
	s17 =	smul.u32 $0x2800, s1  }
0x9: {  	s31 =	sshll.u32 s1, $0x6;
	s9 =	smul.u32 $0x28000, s8;
	s8 =	ssub.s32 $0x2, s8  }
0xa: {  	_ =	strace $0x80000050;
	s11 =	sadd.s32 s7, s5;
	s30 =	sshrl.u32 s8, $0x1  }
0xb: {  	s10 =	sshrl.u32 s10, $0x2;
	s6 =	sadd.s32 s6, s7;
	s9 =	sadd.s32 s9, s5  }
0xc: {  	s12 =	ssub.s32 s8, s30;
	s10 =	sadd.s32 s10, s2;
	s5 =	sor.u32 $0x1C02, s31  }
0xd: {  	s7 =	sadd.s32 $0x2200, s11;
	s11 =	simm.s32 $0x2;
	s8 =	sadd.s32 $0x7200, s9  }
0xe: {  	s16 =	sadd.s32 $0x59A00, s9;
	s9 =	smax.u32 s12, $0x1;
	s10 =	sshrl.u32 s10, $0x3  }
0xf: {  	s12 =	simm.s32 $0x2800;
	s16 =	sadd.s32 s17, s16;
	s17 =	simm.s32 $0x0  }
.LBB2_1:
0x10: {  	[spmem:s10], [sflag:s5] =	dma.local [hbm:s4], $0x2800  }
0x11: {  	_ =	swait.ge [sflag:s11], $0x2800  }
0x12: {  	[sflag:s11] =	ssyncset.done $0x0  }
0x13: {  	[sflag:s11] =	ssyncadd.s32 $0xFFFFD800  }
0x14: {  	[tilespmem:s3], [sflag:$0x2] =	stream.linear.gather [hbm4b:s6+s3], $0x2800, $0x38;
	[tilespmem:$0x1D000] =	vst v63  }
0x15: {  	_ =	swait.ge [sflag:s11], $0x2800  }
0x16: {  	[sflag:s11] =	ssyncset.done $0x0  }
0x17: {  	[sflag:s11] =	ssyncadd.s32 $0xFFFFD800  }
0x18: {  	[tilespmem:s12], [sflag:$0x2] =	stream.linear.gather [hbm4b:s7+s3], $0x2800, $0x38;
	[tilespmem:$0x1D000] =	vst v63  }
0x19: {  	_ =	swait.ge [sflag:s11], $0x2800  }
0x1a: {  	[sflag:s11] =	ssyncset.done $0x0  }
0x1b: {  	[sflag:s11] =	ssyncadd.s32 $0xFFFFD800  }
0x1c: {  	s18 =	simm.s32 $0x0;
	[bflag:$0x0] =	sbarrier.arrive $0xFFFF  }
0x1d: {  	[tilespmem:s14], [sflag:$0x1] =	stream.indirect.gather [hbm4b:s8+s13], $0x80, s18, s13, $0xb8;
	[tilespmem:$0x1D000] =	vst v63  }
0x1e: {  	_ =	swait.ge [sflag:s15], $0x4000  }
0x1f: {  	[sflag:s15] =	ssyncset.done $0x0  }
0x20: {  	s31 =	simm.s32 $0x2800;
	[sflag:s15] =	ssyncadd.s32 $0xFFFFC000  }
0x21: {  	[spmem:s2] =	stream.indirect.scatter.add.f32 [tilespmem:s14], [sflag:$0x2], $0x80, s31, s13, $0xb8;
	[tilespmem:$0x1D000] =	vst v63  }
0x22: {  	_ =	swait.ge [sflag:s11], $0x4000  }
0x23: {  	s19 =	simm.s32 $0x400;
	s18 =	simm.s32 $0x200;
	[sflag:s11] =	ssyncset.done $0x0  }
.LBB2_2:
0x24: {  	s20 =	sshra.s32 s18, $0x2  }
0x25: {  	[sflag:s11] =	ssyncadd.s32 $0xFFFFC000;
	s18 =	smov.u32 s19;
	s21 =	sadd.s32 $0x200, s19  }
0x26: {  	[tilespmem:s14], [sflag:$0x1] =	stream.indirect.gather [hbm4b:s8+s13], $0x80, s20, s13, $0xb8;
	[tilespmem:$0x1D000] =	vst v63  }
0x27: {  	p0 =	sne.s32 s19, $0x9E00;
	_ =	swait.ge [sflag:s15], $0x4000  }
.Ltmp0:
0x28: {  	[sflag:s15] =	ssyncset.done $0x0;
	(pc) =	sbr.rel @p0 .LBB2_2-.Ltmp0, $4  }
0x29: {  	s19 =	sadd.s32 $0x2800, s20;
	[sflag:s15] =	ssyncadd.s32 $0xFFFFC000  }
0x2a: {  	[spmem:s2] =	stream.indirect.scatter.add.f32 [tilespmem:s14], [sflag:$0x2], $0x80, s19, s13, $0xb8;
	[tilespmem:$0x1D000] =	vst v63  }
0x2b: {  	_ =	swait.ge [sflag:s11], $0x4000  }
0x2c: {  	s19 =	smov.u32 s21;
	[sflag:s11] =	ssyncset.done $0x0  }
0x2d: {  	s18 =	sshra.s32 s18, $0x2;
	[sflag:s11] =	ssyncadd.s32 $0xFFFFC000  }
0x2e: {  	[tilespmem:s14], [sflag:$0x1] =	stream.indirect.gather [hbm4b:s8+s13], $0x80, s18, s13, $0xb8;
	[tilespmem:$0x1D000] =	vst v63  }
0x2f: {  	_ =	swait.ge [sflag:s15], $0x4000  }
0x30: {  	[sflag:s15] =	ssyncset.done $0x0  }
0x31: {  	s18 =	sadd.s32 $0x2800, s18;
	[sflag:s15] =	ssyncadd.s32 $0xFFFFC000  }
0x32: {  	[spmem:s2] =	stream.indirect.scatter.add.f32 [tilespmem:s14], [sflag:$0x2], $0x80, s18, s13, $0xb8;
	[tilespmem:$0x1D000] =	vst v63  }
0x33: {  	_ =	swait.ge [sflag:s11], $0x4000  }
0x34: {  	s17 =	sadd.s32 $0x1, s17;
	[sflag:s11] =	ssyncset.done $0x0  }
0x35: {  	p0 =	sne.s32 s17, s9;
	[sflag:s11] =	ssyncadd.s32 $0xFFFFC000  }
.Ltmp1:
0x36: {  	[bflag:$0x0] =	sbarrier.arrive $0xFFFF;
	(pc) =	sbr.rel @p0 .LBB2_1-.Ltmp1, $4  }
0x37: {  	[hbm:s16], [sflag:s5] =	dma.local [spmem:s10], $0x2800  }
0x38: {  	_ =	swait.ge [sflag:s11], $0x2800  }
0x39: {  	[sflag:s11] =	ssyncset.done $0x0  }
0x3a: {  	[sflag:s11] =	ssyncadd.s32 $0xFFFFD800  }
0x3b: {  	_ =	sfence.sel $0x180000  }
0x3c: {  	[bflag:$0x0] =	sbarrier.arrive $0xFFFF  }
0x3d: {  	p0 =	sne.s32 s1, $0x0;
	_ =	strace $0x90000050  }
0x3e: {  	s0 =	sadd.s32 @!p0 $0x100000, s0;
	[bflag:$0x2] =	sbarrier.arrive $0xFFFF  }
0x3f: {  	[sflag:s0] =	ssyncadd.tile.s32 @!p0 $0x1;
	_ =	shalt  }
.Lfunc_end2:
_tile_overlayer_lowered:
.L_overlay_start_2:
0x40: {  	(tag) =	ssettag $0x2  }
0x41: {  	s0 =	rddreg [dreg:$0x0];
	s2 =	stileid.u32  }
0x42: {  	s1 =	rddreg [dreg:$0x1];
	p0 =	sne.s32 s2, $0x0  }
0x43: {  	s3 =	rddreg [dreg:$0x2];
	[bflag:$0x3] =	sbarrier.arrive $0xFFFF;
	s2 =	simm.s32 @!p0 $0x1C02  }
0x44: {  	[timem:s3], [sflag:s2] =	dma.local @!p0 [hbm:s0], s1  }
0x45: {  	s0 =	simm.s32 @!p0 $0x2  }
0x46: {  	_ =	swait.ge @!p0 [sflag:s0], s1  }
0x47: {  	s1 =	ssub.s32 @!p0 $0x0, s1;
	[sflag:s0] =	ssyncset.done @!p0 $0x0  }
0x48: {  	[sflag:s0] =	ssyncadd.s32 @!p0 s1  }
0x49: {  	[bflag:$0x3] =	sbarrier.arrive $0xFFFF  }
0x4a: {  	_ =	shalt  }

// kernel: kernel.9.cloned.1.call-start
scs
__scs_entry_jumppad:
0x0: {  	(pc) =	sbr.rel $0x88, $3  }
0x1: {  	(tag) =	ssettag $0x0;
	lr =	simm.s32 $0x1  }
0x2: {  	[smem:$0x3F92] =	sst lr;
	_ =	strace $0xD0000000  }
0x3: {  	_ = 	snop  }
0x4: {  	_ = 	snop  }
0x5: {  	_ = 	snop  }
0x6: {  	_ = 	snop  }
0x7: {  	_ = 	snop  }
__scs_overlays_trampoline_lowered:
0x8: {  	[smem:$0x3FA1] =	sst s0  }
0x9: {  	[smem:$0x3FA2] =	sst s1  }
0xa: {  	[smem:$0x3FA3] =	sst s2  }
0xb: {  	[smem:$0x3FA4] =	sst s3  }
0xc: {  	[smem:$0x3FA5] =	sst s4  }
0xd: {  	[smem:$0x3FA6] =	sst s5  }
0xe: {  	[smem:$0x3FA7] =	sst s6  }
0xf: {  	[smem:$0x3FA8] =	sst s7  }
0x10: {  	[smem:$0x3FA9] =	sst s8  }
0x11: {  	[smem:$0x3FAA] =	sst s9;
	s0 =	simm.s32 @!p0 $0x0  }
0x12: {  	s1 =	sld [smem:$0x3F90];
	s0 =	simm.s32 @p0 $0x1  }
0x13: {  	[smem:$0x3FAB] =	sst s0;
	s0 =	simm.s32 @!p1 $0x0  }
0x14: {  	s2 =	sld [smem:$0x3F8F];
	s0 =	simm.s32 @p1 $0x1  }
0x15: {  	[smem:$0x3FAC] =	sst s0;
	s0 =	simm.s32 @!p2 $0x0  }
0x16: {  	s3 =	sld [smem:$0x3FDB];
	s0 =	simm.s32 @p2 $0x1  }
0x17: {  	s4 =	simm.s32 $0x1BF5;
	[smem:$0x3FAE] =	sst s0  }
0x18: {  	s0 =	sld [smem:$0x3F91];
	_ =	swait.ge [sflag:s4], $0x0  }
0x19: {  	s7 =	sld [smem:$0x3F92]  }
0x1a: {  	s8 =	sadd.s32 $0xFFFFE003, lr  }
0x1b: {  	s9 =	sadd.s32 $0xFFFFFEF7, lr;
	s5 =	simm.s32 $0xFFFFFFFF;
	p2 =	slt.u32 s8, $0xFFFFF086  }
0x1c: {  	p1 =	slt.u32 s9, $0xF7A;
	s5 =	simm.s32 @!p2 $0x0  }
0x1d: {  	s5 =	simm.s32 @p1 $0x1;
	p0 =	seq.s32 s7, s2  }
0x1e: {  	s7 =	smul.u32 @!p0 $0xF7A, s2;
	p2 =	seq.s32 @!p0 s5, $0x0  }
0x1f: {  	s9 =	smul.u32 $0xF7A, s1;
	s8 =	simm.s32 @!p0 $0x1BF5;
	p2 =	por !p2, p0  }
0x20: {  	[sflag:s8] =	ssyncset.s32 @!p0 $0xFFFFF086;
	s6 =	sadd.s32 @!p0 s3, s7;
	s7 =	simm.s32 @!p0 $0x108  }
0x21: {  	s3 =	sadd.s32 s3, s9;
	s6 =	sadd.s32 @!p0 $0x88, s6;
	s7 =	simm.s32 @p2 $0x1082  }
0x22: {  	[simem:s7], [sflag:s8] =	dma.local @!p0 [hbm:s6], $0xF7A  }
0x23: {  	s9 =	sor.u32 $0xD0000000, s2;
	s6 =	simm.s32 $0x108;
	_ =	swait.ge @!p0 [sflag:s8], $0x0  }
0x24: {  	s3 =	sadd.s32 $0x88, s3;
	s6 =	simm.s32 @!p1 $0x1082;
	[sflag:s4] =	ssyncset.s32 $0xFFFFF086  }
0x25: {  	[simem:s6], [sflag:s4] =	dma.local [hbm:s3], $0xF7A  }
0x26: {  	[smem:$0x3F92] =	sst s1;
	(tag) =	ssettag s2;
	_ =	strace s9  }
0x27: {  	s1 =	sld [smem:$0x3FA2]  }
0x28: {  	s2 =	sld [smem:$0x3FA3]  }
0x29: {  	s4 =	sld [smem:$0x3FA5]  }
0x2a: {  	p0 =	seq.s32 s5, $0x0;
	s5 =	sld [smem:$0x3FA6]  }
0x2b: {  	s6 =	sld [smem:$0x3FA7]  }
0x2c: {  	s7 =	sld [smem:$0x3FA8]  }
0x2d: {  	s3 =	simm.s32 $0x108;
	s8 =	sld [smem:$0x3FA9]  }
0x2e: {  	s3 =	simm.s32 @!p0 $0x1082;
	s9 =	sld [smem:$0x3FAA]  }
0x2f: {  	lr =	sadd.s32 s0, s3;
	s0 =	sld [smem:$0x3FA1]  }
0x30: {  	s3 =	sld [smem:$0x3FA4]  }
0x31: {  	[smem:$0x3FAD] =	sst s10  }
0x32: {  	s10 =	sld [smem:$0x3FAB];
	_ =	sdelay $0x3  }
0x33: {  	p0 =	seq.s32 s10, $0x1;
	s10 =	sld [smem:$0x3FAD];
	_ =	sdelay $0x3  }
0x34: {  	[smem:$0x3FAD] =	sst s10  }
0x35: {  	s10 =	sld [smem:$0x3FAC];
	_ =	sdelay $0x3  }
0x36: {  	p1 =	seq.s32 s10, $0x1;
	s10 =	sld [smem:$0x3FAD];
	_ =	sdelay $0x3  }
0x37: {  	[smem:$0x3FAD] =	sst s10  }
0x38: {  	s10 =	sld [smem:$0x3FAE]  }
0x39: {  	_ = 	snop;
	(pc) =	sbr.ind lr, $3  }
0x3a: {  	_ = 	snop  }
0x3b: {  	_ = 	snop  }
0x3c: {  	p2 =	seq.s32 s10, $0x1;
	s10 =	sld [smem:$0x3FAD]  }
0x3d: {  	_ =	shalt  }
0x3e: {  	_ =	shalt  }
0x3f: {  	_ =	shalt  }
0x40: {  	_ =	shalt  }
0x41: {  	_ =	shalt  }
0x42: {  	_ =	shalt  }
0x43: {  	_ =	shalt  }
0x44: {  	_ =	shalt  }
0x45: {  	_ =	shalt  }
0x46: {  	_ =	shalt  }
0x47: {  	_ =	shalt  }
0x48: {  	_ =	shalt  }
0x49: {  	_ =	shalt  }
0x4a: {  	_ =	shalt  }
0x4b: {  	_ =	shalt  }
0x4c: {  	_ =	shalt  }
0x4d: {  	_ =	shalt  }
0x4e: {  	_ =	shalt  }
0x4f: {  	_ =	shalt  }
0x50: {  	_ =	shalt  }
0x51: {  	_ =	shalt  }
0x52: {  	_ =	shalt  }
0x53: {  	_ =	shalt  }
0x54: {  	_ =	shalt  }
0x55: {  	_ =	shalt  }
0x56: {  	_ =	shalt  }
0x57: {  	_ =	shalt  }
0x58: {  	_ =	shalt  }
0x59: {  	_ =	shalt  }
0x5a: {  	_ =	shalt  }
0x5b: {  	_ =	shalt  }
0x5c: {  	_ =	shalt  }
0x5d: {  	_ =	shalt  }
0x5e: {  	_ =	shalt  }
0x5f: {  	_ =	shalt  }
0x60: {  	_ =	shalt  }
0x61: {  	_ =	shalt  }
0x62: {  	_ =	shalt  }
0x63: {  	_ =	shalt  }
0x64: {  	_ =	shalt  }
0x65: {  	_ =	shalt  }
0x66: {  	_ =	shalt  }
0x67: {  	_ =	shalt  }
0x68: {  	_ =	shalt  }
0x69: {  	_ =	shalt  }
0x6a: {  	_ =	shalt  }
0x6b: {  	_ =	shalt  }
0x6c: {  	_ =	shalt  }
0x6d: {  	_ =	shalt  }
0x6e: {  	_ =	shalt  }
0x6f: {  	_ =	shalt  }
0x70: {  	_ =	shalt  }
0x71: {  	_ =	shalt  }
0x72: {  	_ =	shalt  }
0x73: {  	_ =	shalt  }
0x74: {  	_ =	shalt  }
0x75: {  	_ =	shalt  }
0x76: {  	_ =	shalt  }
0x77: {  	_ =	shalt  }
0x78: {  	_ =	shalt  }
0x79: {  	_ =	shalt  }
0x7a: {  	_ =	shalt  }
0x7b: {  	_ =	shalt  }
0x7c: {  	_ =	shalt  }
0x7d: {  	_ =	shalt  }
0x7e: {  	_ =	shalt  }
0x7f: {  	_ =	shalt  }
0x80: {  	_ =	shalt  }
0x81: {  	_ =	shalt  }
0x82: {  	_ =	shalt  }
0x83: {  	_ =	shalt  }
0x84: {  	_ =	shalt  }
0x85: {  	_ =	shalt  }
0x86: {  	_ =	shalt  }
0x87: {  	_ =	shalt  }
.Lfunc_end0:
.L_simem_size_0:
called_computation_lowered:
.L_overlay_start_0:
0x88: {  	s2 =	sld [smem:$0x3FD9]  }
0x89: {  	s3 =	sld [smem:$0x3FFE];
	_ =	sdelay $0x1  }
0x8a: {  	s1 =	srdreg.scid  }
0x8b: {  	s0 =	sand.u32 $0x1, s1  }
0x8c: {  	s17 =	sshll.u32 s0, $0xA;
	s2 =	sadd.s32 s3, s2  }
0x8d: {  	s2 =	sadd.s32 s2, s17  }
0x8e: {  	[smem:$0x3FB9] =	sst s2  }
0x8f: {  	_ = 	snop  }
0x90: {  	(tm) =	ssettm $0x1  }
0x91: {  	s18 =	sld [smem:$0x3FFB];
	_ =	sdelay $0x3  }
0x92: {  	_ =	strace s18  }
0x93: {  	s2 =	sld [smem:$0x3FFC];
	_ =	sdelay $0x3  }
0x94: {  	_ =	strace s2  }
0x95: {  	s2 =	sld [smem:$0x3FFD];
	_ =	sdelay $0x3  }
0x96: {  	_ =	strace s2  }
0x97: {  	_ =	strace $0x8FFFFFFF  }
0x98: {  	s19 =	sld [smem:$0x3FDB];
	_ =	sdelay $0x1  }
0x99: {  	s20 =	simm.s32 $_scs_section_size  }
0x9a: {  	s4 =	simm.s32 $_size__tile_overlayer_lowered;
	s5 =	simm.s32 $_tile_overlayer_lowered  }
0x9b: {  	s6 =	simm.s32 $0x1BFF;
	s21 =	sshll.u32 s5, $0x1;
	s3 =	sadd.s32 s20, s19  }
0x9c: {  	s22 =	simm.s32 $0x0;
	s4 =	sshll.u32 s4, $0x1;
	s5 =	sadd.s32 s21, s3  }
0x9d: {  	[timem:s22], [sflag:s6] =	dma.local [hbm:s5], s4  }
0x9e: {  	_ =	swait.ge [sflag:s6], s4  }
0x9f: {  	s4 =	ssub.s32 $0x0, s4;
	[sflag:s6] =	ssyncset.done $0x0  }
0xa0: {  	[sflag:s6] =	ssyncadd.s32 s4;
	_ =	sdelay $0x1  }
0xa1: {  	s23 =	simm.s32 $0x1B8B  }
0xa2: {  	_ =	swait.ge [sflag:s23], $0x1  }
0xa3: {  	[sflag:s23] =	ssyncset.done $0x0  }
0xa4: {  	[sflag:s23] =	ssyncadd.s32 $0xFFFFFFFF  }
0xa5: {  	s4 =	sld [smem:$0x0]  }
0xa6: {  	s5 =	sand.u32 $0xFFFFFFFE, s1  }
0xa7: {  	p0 =	sne.s32 s1, s5  }
0xa8: {  	s5 =	sshll.u32 @p0 s5, $0xE  }
0xa9: {  	s5 =	sadd.s32 @p0 $0x11B8D, s5;
	s6 =	sshll.u32 @p0 s4, $0x11  }
0xaa: {  	s5 =	sor.u32 @p0 s6, s5  }
0xab: {  	[sflag:s5] =	ssyncadd.remote.s32 @p0 $0x1;
	_ =	sdelay $0x1  }
0xac: {  	s5 =	simm.s32 @p0 $0x1B8D  }
0xad: {  	_ =	swait.eq @p0 [sflag:s5], $0x1  }
0xae: {  	[sflag:s5] =	ssyncadd.s32 @p0 $0xFFFFFFFF  }
0xaf: {  	s6 =	sshll.u32 @!p0 s1, $0xE  }
0xb0: {  	s6 =	sor.u32 @!p0 $0x4000, s6;
	s5 =	simm.s32 @!p0 $0x1B8D  }
0xb1: {  	s4 =	sshll.u32 @!p0 s4, $0x11;
	s6 =	sadd.s32 @!p0 $0x11B8D, s6;
	_ =	swait.eq @!p0 [sflag:s5], $0x1  }
0xb2: {  	s4 =	sor.u32 @!p0 s4, s6;
	[sflag:s5] =	ssyncadd.s32 @!p0 $0xFFFFFFFF  }
0xb3: {  	s25 =	simm.s32 $0x1B8E;
	s24 =	sld [smem:$0x3FFE];
	[sflag:s4] =	ssyncadd.remote.s32 @!p0 $0x1  }
0xb4: {  	s26 =	simm.s32 $execute0_lowered;
	[smem:$0x3FD2] =	sst s25  }
0xb5: {  	s5 =	sshll.u32 s26, $0x1;
	_ =	strace $0x80000049;
	[dreg:$0x1] =	wrdreg $0xFFFFFFFF  }
0xb6: {  	s28 =	simm.s32 $_size_execute0_lowered;
	s3 =	sadd.s32 s3, s5;
	[dreg:$0x0] =	wrdreg $0x0  }
0xb7: {  	s5 =	sshll.u32 s28, $0x1;
	[dreg:$0x2] =	wrdreg s3  }
0xb8: {  	[dreg:$0x3] =	wrdreg s5  }
0xb9: {  	[dreg:$0x4] =	wrdreg $0xC0  }
0xba: {  	_ =	task [dreg:s22], $0x5FFFF  }
0xbb: {  	[dreg:$0x1] =	wrdreg $0xFFFFFFFF  }
0xbc: {  	[dreg:$0x0] =	wrdreg $0x60  }
0xbd: {  	[dreg:$0x2] =	wrdreg s24  }
0xbe: {  	[dreg:$0x3] =	wrdreg $0x68000  }
0xbf: {  	[dreg:$0x4] =	wrdreg $0x9  }
0xc0: {  	_ =	task.clear_ibuf [dreg:s22], $0x5FFFF;
	_ =	strace $0x90000049  }
0xc1: {  	s29 =	simm.s32 $0x9;
	_ =	strace $0x8000004B  }
0xc2: {  	_ =	swait.ge [sflag:s29], $0x1  }
0xc3: {  	[sflag:s29] =	ssyncadd.s32 $0xFFFFFFFF  }
0xc4: {  	_ =	strace $0x9000004B  }
0xc5: {  	_ =	sfence  }
0xc6: {  	s30 =	sld [smem:$0x0];
	_ =	sdelay $0x2  }
0xc7: {  	s31 =	sshll.u32 s1, $0xD;
	s1 =	sshrl.u32 s1, $0x2  }
0xc8: {  	s4 =	sand.u32 $0x4000, s31;
	s1 =	sadd.s32 s1, s30  }
0xc9: {  	s0 =	sor.u32 s4, s0;
	s1 =	sshll.u32 s1, $0x11  }
0xca: {  	s0 =	sor.u32 s1, s0  }
0xcb: {  	s0 =	sadd.s32 $0x8F2B, s0  }
0xcc: {  	[sflag:s0] =	ssyncadd.remote.s32 $0x1  }
0xcd: {  	_ =	sfence.sel $0xFFFF  }
0xce: {  	[dreg:$0x0] =	wrdreg $0xFFFFFFFF;
	(pc) =	sbr.abs _section_cstart, $3  }
0xcf: {  	[dreg:$0x1] =	wrdreg $0xFFFFFFFF  }
0xd0: {  	_ =	task.clear_ibuf [dreg:s22], $0x2FFFF;
	_ =	strace $0x9FFFFFFF  }
0xd1: {  	(tm) =	ssettm $0x7FFFFFFF  }
tec
execute0_lowered:
.L_overlay_start_1:
0x0: {  	(tag) =	ssettag $0x1  }
0x1: {  	s6 =	rddreg [dreg:$0x0]  }
0x2: {  	s2 =	rddreg [dreg:$0x1]  }
0x3: {  	s0 =	rddreg [dreg:$0x2];
	s3 =	simm.s32 $0x0;
	s1 =	stileid.u32  }
0x4: {  	s5 =	srdreg.scid;
	s12 =	simm.s32 $0x2800;
	s4 =	smul.u32 $0x500, s1  }
0x5: {  	s13 =	simm.s32 $0x80;
	[smem:$0x7FF] =	sst s3;
	s7 =	smul.u32 $0x2800, s1  }
0x6: {  	s9 =	sand.u32 $0x1, s5;
	s10 =	smul.u32 $0x50000, s1;
	s5 =	sadd.s32 $0xA9A00, s6  }
0x7: {  	s31 =	sshll.u32 s1, $0x6;
	_ =	strace $0x8000004A;
	s11 =	ssub.s32 $0x2, s9  }
.Ltmp0:
0x8: {  	p0 =	sne.s32 s9, $0x0;
	s9 =	sor.u32 $0x1C01, s31;
	(pc) =	sbr.rel .LBB2_1-.Ltmp0, $4  }
0x9: {  	s8 =	sadd.s32 s4, s6;
	s4 =	sadd.s32 $0x57200, s6;
	s30 =	sshrl.u32 s11, $0x1  }
0xa: {  	s7 =	sadd.s32 s7, s6;
	s10 =	sshrl.u32 s10, $0x2;
	s11 =	ssub.s32 s11, s30  }
0xb: {  	s10 =	sadd.s32 s10, s2;
	s6 =	sadd.s32 $0x2200, s8;
	s7 =	sadd.s32 $0xAA200, s7  }
0xc: {  	s8 =	smax.u32 s11, $0x1;
	s10 =	sshrl.u32 s10, $0x3;
	s11 =	simm.s32 $0x1  }
.LBB2_7:
0xd: {  	[bflag:$0x0] =	sbarrier.arrive $0xFFFF  }
0xe: {  	[bflag:$0x0] =	sbarrier.arrive $0xFFFF  }
.LBB2_5:
0xf: {  	s3 =	sadd.s32 $0x1, s3  }
0x10: {  	p1 =	sne.s32 s3, s8  }
.Ltmp1:
0x11: {  	_ = 	snop;
	(pc) =	sbr.rel @!p1 .LBB2_6-.Ltmp1, $1  }
0x12: {  	_ =	sdelay $0x3  }
.LBB2_1:
.Ltmp2:
0x13: {  	(pc) =	sbr.rel @p0 .LBB2_7-.Ltmp2, $1  }
0x14: {  	_ =	sdelay $0x3  }
0x15: {  	[spmem:s10], [sflag:s9] =	dma.local [hbm:s4], $0x2800  }
0x16: {  	_ =	swait.ge [sflag:s11], $0x2800  }
0x17: {  	[sflag:s11] =	ssyncset.done $0x0  }
0x18: {  	s14 =	simm.s32 $0x0;
	[sflag:s11] =	ssyncadd.s32 $0xFFFFD800  }
0x19: {  	[tilespmem:s14], [sflag:$0x1] =	stream.linear.gather [hbm4b:s6+s14], $0x2800, $0x38;
	[tilespmem:$0x1A800] =	vst v63  }
0x1a: {  	_ =	swait.ge [sflag:s11], $0x2800  }
0x1b: {  	[sflag:s11] =	ssyncset.done $0x0  }
0x1c: {  	[sflag:s11] =	ssyncadd.s32 $0xFFFFD800  }
0x1d: {  	[tilespmem:s12], [sflag:$0x1] =	stream.linear.gather [hbm4b:s5+s14], $0x4000, $0x38;
	[tilespmem:$0x1A800] =	vst v63  }
0x1e: {  	_ =	swait.ge [sflag:s11], $0x4000  }
0x1f: {  	[sflag:s11] =	ssyncset.done $0x0  }
0x20: {  	[sflag:s11] =	ssyncadd.s32 $0xFFFFC000  }
0x21: {  	s31 =	simm.s32 $0x0;
	[bflag:$0x0] =	sbarrier.arrive $0xFFFF  }
0x22: {  	[spmem:s2] =	stream.indirect.scatter.add.f32 [tilespmem:s12], [sflag:$0x1], $0x80, s31, s13, $0xb8;
	[tilespmem:$0x1A800] =	vst v63  }
0x23: {  	_ =	swait.ge [sflag:s11], $0x4000  }
0x24: {  	s14 =	simm.s32 $0x200;
	[sflag:s11] =	ssyncset.done $0x0  }
.LBB2_3:
0x25: {  	s15 =	sshra.s32 s14, $0x2;
	[sflag:s11] =	ssyncadd.s32 $0xFFFFC000;
	p1 =	seq.s32 s14, $0x9E00  }
0x26: {  	[spmem:s2] =	stream.indirect.scatter.add.f32 [tilespmem:s12], [sflag:$0x1], $0x80, s15, s13, $0xb8;
	[tilespmem:$0x1A800] =	vst v63  }
.Ltmp3:
0x27: {  	_ = 	snop;
	(pc) =	sbr.rel @!p1 .LBB2_3-.Ltmp3, $4  }
0x28: {  	_ = 	snop  }
0x29: {  	s14 =	sadd.s32 $0x200, s14  }
0x2a: {  	_ =	swait.ge [sflag:s11], $0x4000  }
0x2b: {  	[sflag:s11] =	ssyncset.done $0x0  }
0x2c: {  	[sflag:s11] =	ssyncadd.s32 $0xFFFFC000  }
.Ltmp4:
0x2d: {  	[bflag:$0x0] =	sbarrier.arrive $0xFFFF;
	(pc) =	sbr.rel .LBB2_5-.Ltmp4, $4  }
0x2e: {  	[hbm:s7], [sflag:s9] =	dma.local [spmem:s10], $0x2800  }
0x2f: {  	_ =	swait.ge [sflag:s11], $0x2800  }
0x30: {  	[sflag:s11] =	ssyncset.done $0x0  }
0x31: {  	[sflag:s11] =	ssyncadd.s32 $0xFFFFD800  }
.LBB2_6:
0x32: {  	_ =	sfence.sel $0x180000  }
0x33: {  	[bflag:$0x0] =	sbarrier.arrive $0xFFFF  }
0x34: {  	p0 =	sne.s32 s1, $0x0;
	_ =	strace $0x9000004A  }
0x35: {  	s0 =	sadd.s32 @!p0 $0x100000, s0;
	[bflag:$0x2] =	sbarrier.arrive $0xFFFF  }
0x36: {  	[sflag:s0] =	ssyncadd.tile.s32 @!p0 $0x1;
	_ =	shalt  }
.Lfunc_end2:
_tile_overlayer_lowered:
.L_overlay_start_2:
0x37: {  	(tag) =	ssettag $0x2  }
0x38: {  	s0 =	rddreg [dreg:$0x0];
	s2 =	stileid.u32  }
0x39: {  	s1 =	rddreg [dreg:$0x1];
	p0 =	sne.s32 s2, $0x0  }
0x3a: {  	s3 =	rddreg [dreg:$0x2];
	[bflag:$0x3] =	sbarrier.arrive $0xFFFF;
	s2 =	simm.s32 @!p0 $0x1C01  }
0x3b: {  	[timem:s3], [sflag:s2] =	dma.local @!p0 [hbm:s0], s1  }
0x3c: {  	s0 =	simm.s32 @!p0 $0x1  }
0x3d: {  	_ =	swait.ge @!p0 [sflag:s0], s1  }
0x3e: {  	s1 =	ssub.s32 @!p0 $0x0, s1;
	[sflag:s0] =	ssyncset.done @!p0 $0x0  }
0x3f: {  	[sflag:s0] =	ssyncadd.s32 @!p0 s1  }
0x40: {  	[bflag:$0x3] =	sbarrier.arrive $0xFFFF  }
0x41: {  	_ =	shalt  }

</sc_bundles>
